<compile_context>
chip_gen: v7x
topology: tpu7x:2x2x1
jax: 0.10.2.dev20260603
libtpu: 0.0.44.dev20260713+nightly
codegen_flags: <defaults>
</compile_context>

<pallas_src>
import functools

import jax
import jax.numpy as jnp
from jax import lax
from jax.experimental import pallas as pl
from jax.experimental.pallas import tpu as pltpu
from jax.experimental.pallas import tpu_sc as plsc


def kernel(input, indices):
    X, Y, N = input.shape
    K = indices.shape[0]
    NC, NS = 2, 16
    NW = NC * NS
    CC = 8
    NCHUNK = K // CC
    UNITS = Y * NCHUNK
    ITERS = -(-UNITS // NW)
    NBUF = 3

    t = jnp.transpose(input, (1, 2, 0))

    mesh = plsc.VectorSubcoreMesh(core_axis_name="c", subcore_axis_name="s")

    @functools.partial(
        pl.kernel,
        mesh=mesh,
        compiler_params=pltpu.CompilerParams(
            needs_layout_passes=False, use_tc_tiling_on_sc=True),
        out_type=jax.ShapeDtypeStruct((Y, K, X), jnp.float32),
        scratch_types=[
            pltpu.VMEM((K,), jnp.int32),
            pltpu.VMEM((NBUF, CC, X), jnp.float32),
            pltpu.SemaphoreType.DMA((NBUF,)),
            pltpu.SemaphoreType.DMA((NBUF,)),
        ],
    )
    def sc_run(in_hbm, idx_hbm, out_hbm, idx_v, buf_v, in_sems, out_sems):
        w = lax.axis_index("s") * NC + lax.axis_index("c")
        pltpu.sync_copy(idx_hbm, idx_v)

        def unit_jc(i):
            unit = w + i * NW
            return unit // NCHUNK, lax.rem(unit, NCHUNK) * CC

        def gather(i, b):
            j, c0 = unit_jc(i)
            return pltpu.make_async_copy(
                in_hbm.at[j].at[idx_v.at[pl.ds(pl.multiple_of(c0, 8), CC)]],
                buf_v.at[b],
                in_sems.at[b])

        def out_copy(i, b):
            j, c0 = unit_jc(i)
            return pltpu.make_async_copy(
                buf_v.at[b],
                out_hbm.at[j, pl.ds(pl.multiple_of(c0, 8), CC)],
                out_sems.at[b])

        def guarded(i, fn):
            @pl.when(w + i * NW < UNITS)
            def _():
                fn()

        for u in range(2):
            guarded(u, lambda u=u: gather(u, u % NBUF).start())

        @pl.loop(0, ITERS)
        def _(u):
            b = lax.rem(u, NBUF)
            guarded(u, lambda: gather(u, b).wait())
            guarded(u, lambda: out_copy(u, b).start())

            @pl.when(u + 2 < ITERS)
            def _():
                bn = lax.rem(u + 2, NBUF)

                @pl.when(u >= 1)
                def _():
                    guarded(u - 1, lambda: out_copy(u - 1, bn).wait())

                guarded(u + 2, lambda: gather(u + 2, bn).start())

        for u in range(ITERS - NBUF, ITERS):
            guarded(u, lambda u=u: out_copy(u, u % NBUF).wait())

    out_t = sc_run(t, indices)
    return jnp.transpose(out_t, (2, 0, 1))

# --- scband reference (transcript-rebuilt; emitter-appended) ---
"""Pipeline reference for scband-index-select-two-idx-module-1082331759284 (READ-ONLY COPY).

The authoritative reference and input builder live on the scoring server;
editing this copy changes nothing except your own understanding.
"""

import jax, jax.numpy as jnp
import numpy as np


def setup_inputs(seed: int = 0) -> dict:
    key = jax.random.key(seed)
    k1, k2 = jax.random.split(key)
    inp = jax.random.normal(k1, (4096, 26, 1000), dtype=jnp.float32)
    indices = jax.random.randint(k2, (200,), 0, 1000, dtype=jnp.int32)
    return {"input": inp, "indices": indices}


def reference(input, indices):
    # torch.index_select(input, 2, indices) == jnp.take(input, indices, axis=2)
    return jnp.take(input, indices, axis=2)

if __name__ == "__main__":
    import jax
    _d = setup_inputs()
    print(jax.jit(kernel)(*tuple(_d.values())))

</pallas_src>

<mosaic_0001>
#map = affine_map<(d0, d1) -> (0, 0, 0)>
#map1 = affine_map<(d0, d1) -> (0)>
module attributes {stable_mosaic.version = 14 : i64} {
  func.func @sc_run(%arg0: i32, %arg1: i32, %arg2: memref<26x1000x4096xf32, #tpu.memory_space<hbm>>, %arg3: memref<200xi32, #tpu.memory_space<hbm>>, %arg4: memref<26x200x4096xf32, #tpu.memory_space<hbm>>, %arg5: memref<200xi32, #tpu.memory_space<vmem>>, %arg6: memref<3x8x4096xf32, #tpu.memory_space<vmem>>, %arg7: memref<3x!tpu.dma_semaphore, #tpu.memory_space<semaphore_mem>>, %arg8: memref<3x!tpu.dma_semaphore, #tpu.memory_space<semaphore_mem>>) attributes {dimension_semantics = [#tpu.dimension_semantics<core_parallel>, #tpu.dimension_semantics<subcore_parallel>], iteration_bounds = array<i64: 2, 16>, scalar_prefetch = 0 : i64, scratch_operands = 4 : i64, tpu.core_type = #tpu.core_type<sc_vector_subcore>, window_params = [{transform_indices = #map}, {transform_indices = #map1}, {transform_indices = #map}]} {
    %mul3A = arith.constant 2 : i32
    %mul3A_0 = arith.muli %arg1, %mul3A : i32
    %add3A = arith.addi %mul3A_0, %arg0 : i32
    "tpu.region"() ({
      %run_scoped3A = tpu.sem_alloc : memref<!tpu.dma_semaphore, #tpu.memory_space<semaphore_mem>>
      tpu.enqueue_dma source(%arg3 : memref<200xi32, #tpu.memory_space<hbm>>) target(%arg5 : memref<200xi32, #tpu.memory_space<vmem>>) target_semaphore(%run_scoped3A : memref<!tpu.dma_semaphore, #tpu.memory_space<semaphore_mem>>)
      tpu.wait_dma2 semaphore(%run_scoped3A : memref<!tpu.dma_semaphore, #tpu.memory_space<semaphore_mem>>) src(%arg3 : memref<200xi32, #tpu.memory_space<hbm>>) dst(%arg5 : memref<200xi32, #tpu.memory_space<vmem>>)
      tpu.yield
    }) : () -> ()
    %add3A_1 = arith.constant 0 : i32
    %add3A_2 = arith.addi %add3A, %add3A_1 : i32
    %lt3A = arith.constant 650 : i32
    %lt3A_3 = arith.cmpi slt, %add3A_2, %lt3A : i32
    %convert_element_type3A = arith.extui %lt3A_3 : i1 to i32
    %cond3A = arith.constant 0 : i32
    %cond3A_4 = arith.cmpi ne, %convert_element_type3A, %cond3A : i32
    scf.if %cond3A_4 {
      %add3A_37 = arith.constant 0 : i32
      %add3A_38 = arith.addi %add3A, %add3A_37 : i32
      %jit3A = arith.constant 25 : i32
      %div3A = arith.divsi %add3A_38, %jit3A : i32
      %sign3A = arith.constant 0 : i32
      %sign3A_39 = arith.cmpi sgt, %add3A_38, %sign3A : i32
      %sign3A_40 = arith.extui %sign3A_39 : i1 to i32
      %sign3A_41 = arith.constant 0 : i32
      %sign3A_42 = arith.cmpi slt, %add3A_38, %sign3A_41 : i32
      %sign3A_43 = arith.extui %sign3A_42 : i1 to i32
      %sign3A_44 = arith.subi %sign3A_40, %sign3A_43 : i32
      %sign3A_45 = arith.constant 0 : i32
      %sign3A_46 = arith.cmpi sgt, %jit3A, %sign3A_45 : i32
      %sign3A_47 = arith.extui %sign3A_46 : i1 to i32
      %sign3A_48 = arith.constant 0 : i32
      %sign3A_49 = arith.cmpi slt, %jit3A, %sign3A_48 : i32
      %sign3A_50 = arith.extui %sign3A_49 : i1 to i32
      %sign3A_51 = arith.subi %sign3A_47, %sign3A_50 : i32
      %ne3A = arith.cmpi ne, %sign3A_44, %sign3A_51 : i32
      %rem3A = arith.remsi %add3A_38, %jit3A : i32
      %ne3A_52 = arith.constant 0 : i32
      %ne3A_53 = arith.cmpi ne, %rem3A, %ne3A_52 : i32
      %and3A = arith.andi %ne3A, %ne3A_53 : i1
      %sub3A = arith.constant 1 : i32
      %sub3A_54 = arith.subi %div3A, %sub3A : i32
      %select_n3A = arith.select %and3A, %sub3A_54, %div3A : i32
      %rem3A_55 = arith.constant 25 : i32
      %rem3A_56 = arith.remsi %add3A_38, %rem3A_55 : i32
      %mul3A_57 = arith.constant 8 : i32
      %mul3A_58 = arith.muli %rem3A_56, %mul3A_57 : i32
      %multiple_of3A = tpu.assume_multiple %mul3A_58, 8 : i32
      %dma_start3A = arith.constant 0 : i32
      %dma_start3A_59 = arith.constant 0 : i32
      %dma_start3A_60 = arith.constant 0 : i32
      %dma_start3A_61 = arith.constant 0 : i32
      %dma_start3A_62 = tpu.memref_slice %arg6[%dma_start3A, %dma_start3A_60, %dma_start3A_61] : memref<3x8x4096xf32, #tpu.memory_space<vmem>> -> memref<1x8x4096xf32, #tpu.memory_space<vmem>>
      %dma_start3A_63 = tpu.memref_squeeze %dma_start3A_62 : memref<1x8x4096xf32, #tpu.memory_space<vmem>> -> memref<8x4096xf32, #tpu.memory_space<vmem>>
      %dma_start3A_64 = tpu.memref_slice %arg5[%multiple_of3A] : memref<200xi32, #tpu.memory_space<vmem>> -> memref<8xi32, #tpu.memory_space<vmem>>
      %dma_start3A_65 = arith.constant 0 : i32
      %dma_start3A_66 = arith.constant 0 : i32
      %dma_start3A_67 = tpu.memref_slice %arg2[%select_n3A, %dma_start3A_65, %dma_start3A_66] : memref<26x1000x4096xf32, #tpu.memory_space<hbm>> -> memref<1x1000x4096xf32, #tpu.memory_space<hbm>>
      %dma_start3A_68 = tpu.memref_squeeze %dma_start3A_67 : memref<1x1000x4096xf32, #tpu.memory_space<hbm>> -> memref<1000x4096xf32, #tpu.memory_space<hbm>>
      %dma_start3A_69 = arith.constant 0 : i32
      %dma_start3A_70 = arith.constant 0 : i32
      %dma_start3A_71 = tpu.memref_slice %dma_start3A_68[%dma_start3A_69, %dma_start3A_70] : memref<1000x4096xf32, #tpu.memory_space<hbm>> -> memref<1000x4096xf32, #tpu.memory_space<hbm>>
      %dma_start3A_72 = tpu.memref_slice %arg7[%dma_start3A_59] : memref<3x!tpu.dma_semaphore, #tpu.memory_space<semaphore_mem>> -> memref<1x!tpu.dma_semaphore, #tpu.memory_space<semaphore_mem>>
      %dma_start3A_73 = tpu.memref_squeeze %dma_start3A_72 : memref<1x!tpu.dma_semaphore, #tpu.memory_space<semaphore_mem>> -> memref<!tpu.dma_semaphore, #tpu.memory_space<semaphore_mem>>
      tpu.enqueue_indirect_dma source(%dma_start3A_71 : memref<1000x4096xf32, #tpu.memory_space<hbm>>) target(%dma_start3A_63 : memref<8x4096xf32, #tpu.memory_space<vmem>>) offsets(%dma_start3A_64 : memref<8xi32, #tpu.memory_space<vmem>>) semaphore(%dma_start3A_73 : memref<!tpu.dma_semaphore, #tpu.memory_space<semaphore_mem>>)
    } else {
    }
    %add3A_5 = arith.constant 32 : i32
    %add3A_6 = arith.addi %add3A, %add3A_5 : i32
    %lt3A_7 = arith.constant 650 : i32
    %lt3A_8 = arith.cmpi slt, %add3A_6, %lt3A_7 : i32
    %convert_element_type3A_9 = arith.extui %lt3A_8 : i1 to i32
    %cond3A_10 = arith.constant 0 : i32
    %cond3A_11 = arith.cmpi ne, %convert_element_type3A_9, %cond3A_10 : i32
    scf.if %cond3A_11 {
      %add3A_37 = arith.constant 32 : i32
      %add3A_38 = arith.addi %add3A, %add3A_37 : i32
      %jit3A = arith.constant 25 : i32
      %div3A = arith.divsi %add3A_38, %jit3A : i32
      %sign3A = arith.constant 0 : i32
      %sign3A_39 = arith.cmpi sgt, %add3A_38, %sign3A : i32
      %sign3A_40 = arith.extui %sign3A_39 : i1 to i32
      %sign3A_41 = arith.constant 0 : i32
      %sign3A_42 = arith.cmpi slt, %add3A_38, %sign3A_41 : i32
      %sign3A_43 = arith.extui %sign3A_42 : i1 to i32
      %sign3A_44 = arith.subi %sign3A_40, %sign3A_43 : i32
      %sign3A_45 = arith.constant 0 : i32
      %sign3A_46 = arith.cmpi sgt, %jit3A, %sign3A_45 : i32
      %sign3A_47 = arith.extui %sign3A_46 : i1 to i32
      %sign3A_48 = arith.constant 0 : i32
      %sign3A_49 = arith.cmpi slt, %jit3A, %sign3A_48 : i32
      %sign3A_50 = arith.extui %sign3A_49 : i1 to i32
      %sign3A_51 = arith.subi %sign3A_47, %sign3A_50 : i32
      %ne3A = arith.cmpi ne, %sign3A_44, %sign3A_51 : i32
      %rem3A = arith.remsi %add3A_38, %jit3A : i32
      %ne3A_52 = arith.constant 0 : i32
      %ne3A_53 = arith.cmpi ne, %rem3A, %ne3A_52 : i32
      %and3A = arith.andi %ne3A, %ne3A_53 : i1
      %sub3A = arith.constant 1 : i32
      %sub3A_54 = arith.subi %div3A, %sub3A : i32
      %select_n3A = arith.select %and3A, %sub3A_54, %div3A : i32
      %rem3A_55 = arith.constant 25 : i32
      %rem3A_56 = arith.remsi %add3A_38, %rem3A_55 : i32
      %mul3A_57 = arith.constant 8 : i32
      %mul3A_58 = arith.muli %rem3A_56, %mul3A_57 : i32
      %multiple_of3A = tpu.assume_multiple %mul3A_58, 8 : i32
      %dma_start3A = arith.constant 1 : i32
      %dma_start3A_59 = arith.constant 1 : i32
      %dma_start3A_60 = arith.constant 0 : i32
      %dma_start3A_61 = arith.constant 0 : i32
      %dma_start3A_62 = tpu.memref_slice %arg6[%dma_start3A, %dma_start3A_60, %dma_start3A_61] : memref<3x8x4096xf32, #tpu.memory_space<vmem>> -> memref<1x8x4096xf32, #tpu.memory_space<vmem>>
      %dma_start3A_63 = tpu.memref_squeeze %dma_start3A_62 : memref<1x8x4096xf32, #tpu.memory_space<vmem>> -> memref<8x4096xf32, #tpu.memory_space<vmem>>
      %dma_start3A_64 = tpu.memref_slice %arg5[%multiple_of3A] : memref<200xi32, #tpu.memory_space<vmem>> -> memref<8xi32, #tpu.memory_space<vmem>>
      %dma_start3A_65 = arith.constant 0 : i32
      %dma_start3A_66 = arith.constant 0 : i32
      %dma_start3A_67 = tpu.memref_slice %arg2[%select_n3A, %dma_start3A_65, %dma_start3A_66] : memref<26x1000x4096xf32, #tpu.memory_space<hbm>> -> memref<1x1000x4096xf32, #tpu.memory_space<hbm>>
      %dma_start3A_68 = tpu.memref_squeeze %dma_start3A_67 : memref<1x1000x4096xf32, #tpu.memory_space<hbm>> -> memref<1000x4096xf32, #tpu.memory_space<hbm>>
      %dma_start3A_69 = arith.constant 0 : i32
      %dma_start3A_70 = arith.constant 0 : i32
      %dma_start3A_71 = tpu.memref_slice %dma_start3A_68[%dma_start3A_69, %dma_start3A_70] : memref<1000x4096xf32, #tpu.memory_space<hbm>> -> memref<1000x4096xf32, #tpu.memory_space<hbm>>
      %dma_start3A_72 = tpu.memref_slice %arg7[%dma_start3A_59] : memref<3x!tpu.dma_semaphore, #tpu.memory_space<semaphore_mem>> -> memref<1x!tpu.dma_semaphore, #tpu.memory_space<semaphore_mem>>
      %dma_start3A_73 = tpu.memref_squeeze %dma_start3A_72 : memref<1x!tpu.dma_semaphore, #tpu.memory_space<semaphore_mem>> -> memref<!tpu.dma_semaphore, #tpu.memory_space<semaphore_mem>>
      tpu.enqueue_indirect_dma source(%dma_start3A_71 : memref<1000x4096xf32, #tpu.memory_space<hbm>>) target(%dma_start3A_63 : memref<8x4096xf32, #tpu.memory_space<vmem>>) offsets(%dma_start3A_64 : memref<8xi32, #tpu.memory_space<vmem>>) semaphore(%dma_start3A_73 : memref<!tpu.dma_semaphore, #tpu.memory_space<semaphore_mem>>)
    } else {
    }
    %scan3A = arith.constant 0 : i32
    %scan3A_12 = arith.constant 21 : i32
    %scan3A_13 = arith.addi %scan3A, %scan3A_12 : i32
    %scan3A_14 = arith.constant 1 : i32
    scf.for %scan3A_37 = %scan3A to %scan3A_13 step %scan3A_14  : i32 {
      %mul3A_38 = arith.constant 1 : i32
      %mul3A_39 = arith.muli %scan3A_37, %mul3A_38 : i32
      %add3A_40 = arith.constant 0 : i32
      %add3A_41 = arith.addi %add3A_40, %mul3A_39 : i32
      %rem3A = arith.constant 3 : i32
      %rem3A_42 = arith.remsi %add3A_41, %rem3A : i32
      %mul3A_43 = arith.constant 32 : i32
      %mul3A_44 = arith.muli %add3A_41, %mul3A_43 : i32
      %add3A_45 = arith.addi %add3A, %mul3A_44 : i32
      %lt3A_46 = arith.constant 650 : i32
      %lt3A_47 = arith.cmpi slt, %add3A_45, %lt3A_46 : i32
      %convert_element_type3A_48 = arith.extui %lt3A_47 : i1 to i32
      %cond3A_49 = arith.constant 0 : i32
      %cond3A_50 = arith.cmpi ne, %convert_element_type3A_48, %cond3A_49 : i32
      scf.if %cond3A_50 {
        %mul3A_66 = arith.constant 32 : i32
        %mul3A_67 = arith.muli %add3A_41, %mul3A_66 : i32
        %add3A_68 = arith.addi %add3A, %mul3A_67 : i32
        %jit3A = arith.constant 25 : i32
        %div3A = arith.divsi %add3A_68, %jit3A : i32
        %sign3A = arith.constant 0 : i32
        %sign3A_69 = arith.cmpi sgt, %add3A_68, %sign3A : i32
        %sign3A_70 = arith.extui %sign3A_69 : i1 to i32
        %sign3A_71 = arith.constant 0 : i32
        %sign3A_72 = arith.cmpi slt, %add3A_68, %sign3A_71 : i32
        %sign3A_73 = arith.extui %sign3A_72 : i1 to i32
        %sign3A_74 = arith.subi %sign3A_70, %sign3A_73 : i32
        %sign3A_75 = arith.constant 0 : i32
        %sign3A_76 = arith.cmpi sgt, %jit3A, %sign3A_75 : i32
        %sign3A_77 = arith.extui %sign3A_76 : i1 to i32
        %sign3A_78 = arith.constant 0 : i32
        %sign3A_79 = arith.cmpi slt, %jit3A, %sign3A_78 : i32
        %sign3A_80 = arith.extui %sign3A_79 : i1 to i32
        %sign3A_81 = arith.subi %sign3A_77, %sign3A_80 : i32
        %ne3A = arith.cmpi ne, %sign3A_74, %sign3A_81 : i32
        %rem3A_82 = arith.remsi %add3A_68, %jit3A : i32
        %ne3A_83 = arith.constant 0 : i32
        %ne3A_84 = arith.cmpi ne, %rem3A_82, %ne3A_83 : i32
        %and3A = arith.andi %ne3A, %ne3A_84 : i1
        %sub3A = arith.constant 1 : i32
        %sub3A_85 = arith.subi %div3A, %sub3A : i32
        %select_n3A = arith.select %and3A, %sub3A_85, %div3A : i32
        %rem3A_86 = arith.constant 25 : i32
        %rem3A_87 = arith.remsi %add3A_68, %rem3A_86 : i32
        %mul3A_88 = arith.constant 8 : i32
        %mul3A_89 = arith.muli %rem3A_87, %mul3A_88 : i32
        %multiple_of3A = tpu.assume_multiple %mul3A_89, 8 : i32
        %dma_wait3A = arith.constant 0 : i32
        %dma_wait3A_90 = arith.constant 0 : i32
        %dma_wait3A_91 = tpu.memref_slice %arg6[%rem3A_42, %dma_wait3A, %dma_wait3A_90] : memref<3x8x4096xf32, #tpu.memory_space<vmem>> -> memref<1x8x4096xf32, #tpu.memory_space<vmem>>
        %dma_wait3A_92 = tpu.memref_squeeze %dma_wait3A_91 : memref<1x8x4096xf32, #tpu.memory_space<vmem>> -> memref<8x4096xf32, #tpu.memory_space<vmem>>
        %dma_wait3A_93 = tpu.memref_slice %arg5[%multiple_of3A] : memref<200xi32, #tpu.memory_space<vmem>> -> memref<8xi32, #tpu.memory_space<vmem>>
        %dma_wait3A_94 = arith.constant 0 : i32
        %dma_wait3A_95 = arith.constant 0 : i32
        %dma_wait3A_96 = tpu.memref_slice %arg2[%select_n3A, %dma_wait3A_94, %dma_wait3A_95] : memref<26x1000x4096xf32, #tpu.memory_space<hbm>> -> memref<1x1000x4096xf32, #tpu.memory_space<hbm>>
        %dma_wait3A_97 = tpu.memref_squeeze %dma_wait3A_96 : memref<1x1000x4096xf32, #tpu.memory_space<hbm>> -> memref<1000x4096xf32, #tpu.memory_space<hbm>>
        %dma_wait3A_98 = arith.constant 0 : i32
        %dma_wait3A_99 = arith.constant 0 : i32
        %dma_wait3A_100 = tpu.memref_slice %dma_wait3A_97[%dma_wait3A_98, %dma_wait3A_99] : memref<1000x4096xf32, #tpu.memory_space<hbm>> -> memref<1000x4096xf32, #tpu.memory_space<hbm>>
        %dma_wait3A_101 = tpu.memref_slice %arg7[%rem3A_42] : memref<3x!tpu.dma_semaphore, #tpu.memory_space<semaphore_mem>> -> memref<1x!tpu.dma_semaphore, #tpu.memory_space<semaphore_mem>>
        %dma_wait3A_102 = tpu.memref_squeeze %dma_wait3A_101 : memref<1x!tpu.dma_semaphore, #tpu.memory_space<semaphore_mem>> -> memref<!tpu.dma_semaphore, #tpu.memory_space<semaphore_mem>>
        tpu.wait_indirect_dma semaphore(%dma_wait3A_102 : memref<!tpu.dma_semaphore, #tpu.memory_space<semaphore_mem>>) src(%dma_wait3A_100 : memref<1000x4096xf32, #tpu.memory_space<hbm>>) dst(%dma_wait3A_92 : memref<8x4096xf32, #tpu.memory_space<vmem>>)
      } else {
      }
      %mul3A_51 = arith.constant 32 : i32
      %mul3A_52 = arith.muli %add3A_41, %mul3A_51 : i32
      %add3A_53 = arith.addi %add3A, %mul3A_52 : i32
      %lt3A_54 = arith.constant 650 : i32
      %lt3A_55 = arith.cmpi slt, %add3A_53, %lt3A_54 : i32
      %convert_element_type3A_56 = arith.extui %lt3A_55 : i1 to i32
      %cond3A_57 = arith.constant 0 : i32
      %cond3A_58 = arith.cmpi ne, %convert_element_type3A_56, %cond3A_57 : i32
      scf.if %cond3A_58 {
        %mul3A_66 = arith.constant 32 : i32
        %mul3A_67 = arith.muli %add3A_41, %mul3A_66 : i32
        %add3A_68 = arith.addi %add3A, %mul3A_67 : i32
        %jit3A = arith.constant 25 : i32
        %div3A = arith.divsi %add3A_68, %jit3A : i32
        %sign3A = arith.constant 0 : i32
        %sign3A_69 = arith.cmpi sgt, %add3A_68, %sign3A : i32
        %sign3A_70 = arith.extui %sign3A_69 : i1 to i32
        %sign3A_71 = arith.constant 0 : i32
        %sign3A_72 = arith.cmpi slt, %add3A_68, %sign3A_71 : i32
        %sign3A_73 = arith.extui %sign3A_72 : i1 to i32
        %sign3A_74 = arith.subi %sign3A_70, %sign3A_73 : i32
        %sign3A_75 = arith.constant 0 : i32
        %sign3A_76 = arith.cmpi sgt, %jit3A, %sign3A_75 : i32
        %sign3A_77 = arith.extui %sign3A_76 : i1 to i32
        %sign3A_78 = arith.constant 0 : i32
        %sign3A_79 = arith.cmpi slt, %jit3A, %sign3A_78 : i32
        %sign3A_80 = arith.extui %sign3A_79 : i1 to i32
        %sign3A_81 = arith.subi %sign3A_77, %sign3A_80 : i32
        %ne3A = arith.cmpi ne, %sign3A_74, %sign3A_81 : i32
        %rem3A_82 = arith.remsi %add3A_68, %jit3A : i32
        %ne3A_83 = arith.constant 0 : i32
        %ne3A_84 = arith.cmpi ne, %rem3A_82, %ne3A_83 : i32
        %and3A = arith.andi %ne3A, %ne3A_84 : i1
        %sub3A = arith.constant 1 : i32
        %sub3A_85 = arith.subi %div3A, %sub3A : i32
        %select_n3A = arith.select %and3A, %sub3A_85, %div3A : i32
        %rem3A_86 = arith.constant 25 : i32
        %rem3A_87 = arith.remsi %add3A_68, %rem3A_86 : i32
        %mul3A_88 = arith.constant 8 : i32
        %mul3A_89 = arith.muli %rem3A_87, %mul3A_88 : i32
        %multiple_of3A = tpu.assume_multiple %mul3A_89, 8 : i32
        %dma_start3A = arith.constant 0 : i32
        %dma_start3A_90 = arith.constant 0 : i32
        %dma_start3A_91 = tpu.memref_slice %arg6[%rem3A_42, %dma_start3A, %dma_start3A_90] : memref<3x8x4096xf32, #tpu.memory_space<vmem>> -> memref<1x8x4096xf32, #tpu.memory_space<vmem>>
        %dma_start3A_92 = tpu.memref_squeeze %dma_start3A_91 : memref<1x8x4096xf32, #tpu.memory_space<vmem>> -> memref<8x4096xf32, #tpu.memory_space<vmem>>
        %dma_start3A_93 = arith.constant 0 : i32
        %dma_start3A_94 = tpu.memref_slice %arg4[%select_n3A, %multiple_of3A, %dma_start3A_93] : memref<26x200x4096xf32, #tpu.memory_space<hbm>> -> memref<1x8x4096xf32, #tpu.memory_space<hbm>>
        %dma_start3A_95 = tpu.memref_squeeze %dma_start3A_94 : memref<1x8x4096xf32, #tpu.memory_space<hbm>> -> memref<8x4096xf32, #tpu.memory_space<hbm>>
        %dma_start3A_96 = tpu.memref_slice %arg8[%rem3A_42] : memref<3x!tpu.dma_semaphore, #tpu.memory_space<semaphore_mem>> -> memref<1x!tpu.dma_semaphore, #tpu.memory_space<semaphore_mem>>
        %dma_start3A_97 = tpu.memref_squeeze %dma_start3A_96 : memref<1x!tpu.dma_semaphore, #tpu.memory_space<semaphore_mem>> -> memref<!tpu.dma_semaphore, #tpu.memory_space<semaphore_mem>>
        %dma_start3A_98 = arith.constant 0 : i32
        %dma_start3A_99 = tpu.memref_slice %arg4[%select_n3A, %multiple_of3A, %dma_start3A_98] : memref<26x200x4096xf32, #tpu.memory_space<hbm>> -> memref<1x8x4096xf32, #tpu.memory_space<hbm>>
        %dma_start3A_100 = tpu.memref_squeeze %dma_start3A_99 : memref<1x8x4096xf32, #tpu.memory_space<hbm>> -> memref<8x4096xf32, #tpu.memory_space<hbm>>
        %dma_start3A_101 = arith.constant 0 : i32
        %dma_start3A_102 = arith.constant 0 : i32
        %dma_start3A_103 = tpu.memref_slice %arg6[%rem3A_42, %dma_start3A_101, %dma_start3A_102] : memref<3x8x4096xf32, #tpu.memory_space<vmem>> -> memref<1x8x4096xf32, #tpu.memory_space<vmem>>
        %dma_start3A_104 = tpu.memref_squeeze %dma_start3A_103 : memref<1x8x4096xf32, #tpu.memory_space<vmem>> -> memref<8x4096xf32, #tpu.memory_space<vmem>>
        tpu.enqueue_dma source(%dma_start3A_104 : memref<8x4096xf32, #tpu.memory_space<vmem>>) target(%dma_start3A_100 : memref<8x4096xf32, #tpu.memory_space<hbm>>) target_semaphore(%dma_start3A_97 : memref<!tpu.dma_semaphore, #tpu.memory_space<semaphore_mem>>)
      } else {
      }
      %add3A_59 = arith.constant 2 : i32
      %add3A_60 = arith.addi %add3A_41, %add3A_59 : i32
      %lt3A_61 = arith.constant 21 : i32
      %lt3A_62 = arith.cmpi slt, %add3A_60, %lt3A_61 : i32
      %convert_element_type3A_63 = arith.extui %lt3A_62 : i1 to i32
      %cond3A_64 = arith.constant 0 : i32
      %cond3A_65 = arith.cmpi ne, %convert_element_type3A_63, %cond3A_64 : i32
      scf.if %cond3A_65 {
        %add3A_66 = arith.constant 2 : i32
        %add3A_67 = arith.addi %add3A_41, %add3A_66 : i32
        %rem3A_68 = arith.constant 3 : i32
        %rem3A_69 = arith.remsi %add3A_67, %rem3A_68 : i32
        %ge3A = arith.constant 1 : i32
        %ge3A_70 = arith.cmpi sge, %add3A_41, %ge3A : i32
        %convert_element_type3A_71 = arith.extui %ge3A_70 : i1 to i32
        %cond3A_72 = arith.constant 0 : i32
        %cond3A_73 = arith.cmpi ne, %convert_element_type3A_71, %cond3A_72 : i32
        scf.if %cond3A_73 {
          %sub3A = arith.constant 1 : i32
          %sub3A_84 = arith.subi %add3A_41, %sub3A : i32
          %mul3A_85 = arith.constant 32 : i32
          %mul3A_86 = arith.muli %sub3A_84, %mul3A_85 : i32
          %add3A_87 = arith.addi %add3A, %mul3A_86 : i32
          %lt3A_88 = arith.constant 650 : i32
          %lt3A_89 = arith.cmpi slt, %add3A_87, %lt3A_88 : i32
          %convert_element_type3A_90 = arith.extui %lt3A_89 : i1 to i32
          %cond3A_91 = arith.constant 0 : i32
          %cond3A_92 = arith.cmpi ne, %convert_element_type3A_90, %cond3A_91 : i32
          scf.if %cond3A_92 {
            %sub3A_93 = arith.constant 1 : i32
            %sub3A_94 = arith.subi %add3A_41, %sub3A_93 : i32
            %mul3A_95 = arith.constant 32 : i32
            %mul3A_96 = arith.muli %sub3A_94, %mul3A_95 : i32
            %add3A_97 = arith.addi %add3A, %mul3A_96 : i32
            %jit3A = arith.constant 25 : i32
            %div3A = arith.divsi %add3A_97, %jit3A : i32
            %sign3A = arith.constant 0 : i32
            %sign3A_98 = arith.cmpi sgt, %add3A_97, %sign3A : i32
            %sign3A_99 = arith.extui %sign3A_98 : i1 to i32
            %sign3A_100 = arith.constant 0 : i32
            %sign3A_101 = arith.cmpi slt, %add3A_97, %sign3A_100 : i32
            %sign3A_102 = arith.extui %sign3A_101 : i1 to i32
            %sign3A_103 = arith.subi %sign3A_99, %sign3A_102 : i32
            %sign3A_104 = arith.constant 0 : i32
            %sign3A_105 = arith.cmpi sgt, %jit3A, %sign3A_104 : i32
            %sign3A_106 = arith.extui %sign3A_105 : i1 to i32
            %sign3A_107 = arith.constant 0 : i32
            %sign3A_108 = arith.cmpi slt, %jit3A, %sign3A_107 : i32
            %sign3A_109 = arith.extui %sign3A_108 : i1 to i32
            %sign3A_110 = arith.subi %sign3A_106, %sign3A_109 : i32
            %ne3A = arith.cmpi ne, %sign3A_103, %sign3A_110 : i32
            %rem3A_111 = arith.remsi %add3A_97, %jit3A : i32
            %ne3A_112 = arith.constant 0 : i32
            %ne3A_113 = arith.cmpi ne, %rem3A_111, %ne3A_112 : i32
            %and3A = arith.andi %ne3A, %ne3A_113 : i1
            %sub3A_114 = arith.constant 1 : i32
            %sub3A_115 = arith.subi %div3A, %sub3A_114 : i32
            %select_n3A = arith.select %and3A, %sub3A_115, %div3A : i32
            %rem3A_116 = arith.constant 25 : i32
            %rem3A_117 = arith.remsi %add3A_97, %rem3A_116 : i32
            %mul3A_118 = arith.constant 8 : i32
            %mul3A_119 = arith.muli %rem3A_117, %mul3A_118 : i32
            %multiple_of3A = tpu.assume_multiple %mul3A_119, 8 : i32
            %dma_wait3A = arith.constant 0 : i32
            %dma_wait3A_120 = arith.constant 0 : i32
            %dma_wait3A_121 = tpu.memref_slice %arg6[%rem3A_69, %dma_wait3A, %dma_wait3A_120] : memref<3x8x4096xf32, #tpu.memory_space<vmem>> -> memref<1x8x4096xf32, #tpu.memory_space<vmem>>
            %dma_wait3A_122 = tpu.memref_squeeze %dma_wait3A_121 : memref<1x8x4096xf32, #tpu.memory_space<vmem>> -> memref<8x4096xf32, #tpu.memory_space<vmem>>
            %dma_wait3A_123 = arith.constant 0 : i32
            %dma_wait3A_124 = tpu.memref_slice %arg4[%select_n3A, %multiple_of3A, %dma_wait3A_123] : memref<26x200x4096xf32, #tpu.memory_space<hbm>> -> memref<1x8x4096xf32, #tpu.memory_space<hbm>>
            %dma_wait3A_125 = tpu.memref_squeeze %dma_wait3A_124 : memref<1x8x4096xf32, #tpu.memory_space<hbm>> -> memref<8x4096xf32, #tpu.memory_space<hbm>>
            %dma_wait3A_126 = tpu.memref_slice %arg8[%rem3A_69] : memref<3x!tpu.dma_semaphore, #tpu.memory_space<semaphore_mem>> -> memref<1x!tpu.dma_semaphore, #tpu.memory_space<semaphore_mem>>
            %dma_wait3A_127 = tpu.memref_squeeze %dma_wait3A_126 : memref<1x!tpu.dma_semaphore, #tpu.memory_space<semaphore_mem>> -> memref<!tpu.dma_semaphore, #tpu.memory_space<semaphore_mem>>
            %dma_wait3A_128 = arith.constant 0 : i32
            %dma_wait3A_129 = tpu.memref_slice %arg4[%select_n3A, %multiple_of3A, %dma_wait3A_128] : memref<26x200x4096xf32, #tpu.memory_space<hbm>> -> memref<1x8x4096xf32, #tpu.memory_space<hbm>>
            %dma_wait3A_130 = tpu.memref_squeeze %dma_wait3A_129 : memref<1x8x4096xf32, #tpu.memory_space<hbm>> -> memref<8x4096xf32, #tpu.memory_space<hbm>>
            %dma_wait3A_131 = arith.constant 0 : i32
            %dma_wait3A_132 = arith.constant 0 : i32
            %dma_wait3A_133 = tpu.memref_slice %arg6[%rem3A_69, %dma_wait3A_131, %dma_wait3A_132] : memref<3x8x4096xf32, #tpu.memory_space<vmem>> -> memref<1x8x4096xf32, #tpu.memory_space<vmem>>
            %dma_wait3A_134 = tpu.memref_squeeze %dma_wait3A_133 : memref<1x8x4096xf32, #tpu.memory_space<vmem>> -> memref<8x4096xf32, #tpu.memory_space<vmem>>
            tpu.wait_dma2 semaphore(%dma_wait3A_127 : memref<!tpu.dma_semaphore, #tpu.memory_space<semaphore_mem>>) src(%dma_wait3A_134 : memref<8x4096xf32, #tpu.memory_space<vmem>>) dst(%dma_wait3A_130 : memref<8x4096xf32, #tpu.memory_space<hbm>>)
          } else {
          }
        } else {
        }
        %add3A_74 = arith.constant 2 : i32
        %add3A_75 = arith.addi %add3A_41, %add3A_74 : i32
        %mul3A_76 = arith.constant 32 : i32
        %mul3A_77 = arith.muli %add3A_75, %mul3A_76 : i32
        %add3A_78 = arith.addi %add3A, %mul3A_77 : i32
        %lt3A_79 = arith.constant 650 : i32
        %lt3A_80 = arith.cmpi slt, %add3A_78, %lt3A_79 : i32
        %convert_element_type3A_81 = arith.extui %lt3A_80 : i1 to i32
        %cond3A_82 = arith.constant 0 : i32
        %cond3A_83 = arith.cmpi ne, %convert_element_type3A_81, %cond3A_82 : i32
        scf.if %cond3A_83 {
          %add3A_84 = arith.constant 2 : i32
          %add3A_85 = arith.addi %add3A_41, %add3A_84 : i32
          %mul3A_86 = arith.constant 32 : i32
          %mul3A_87 = arith.muli %add3A_85, %mul3A_86 : i32
          %add3A_88 = arith.addi %add3A, %mul3A_87 : i32
          %jit3A = arith.constant 25 : i32
          %div3A = arith.divsi %add3A_88, %jit3A : i32
          %sign3A = arith.constant 0 : i32
          %sign3A_89 = arith.cmpi sgt, %add3A_88, %sign3A : i32
          %sign3A_90 = arith.extui %sign3A_89 : i1 to i32
          %sign3A_91 = arith.constant 0 : i32
          %sign3A_92 = arith.cmpi slt, %add3A_88, %sign3A_91 : i32
          %sign3A_93 = arith.extui %sign3A_92 : i1 to i32
          %sign3A_94 = arith.subi %sign3A_90, %sign3A_93 : i32
          %sign3A_95 = arith.constant 0 : i32
          %sign3A_96 = arith.cmpi sgt, %jit3A, %sign3A_95 : i32
          %sign3A_97 = arith.extui %sign3A_96 : i1 to i32
          %sign3A_98 = arith.constant 0 : i32
          %sign3A_99 = arith.cmpi slt, %jit3A, %sign3A_98 : i32
          %sign3A_100 = arith.extui %sign3A_99 : i1 to i32
          %sign3A_101 = arith.subi %sign3A_97, %sign3A_100 : i32
          %ne3A = arith.cmpi ne, %sign3A_94, %sign3A_101 : i32
          %rem3A_102 = arith.remsi %add3A_88, %jit3A : i32
          %ne3A_103 = arith.constant 0 : i32
          %ne3A_104 = arith.cmpi ne, %rem3A_102, %ne3A_103 : i32
          %and3A = arith.andi %ne3A, %ne3A_104 : i1
          %sub3A = arith.constant 1 : i32
          %sub3A_105 = arith.subi %div3A, %sub3A : i32
          %select_n3A = arith.select %and3A, %sub3A_105, %div3A : i32
          %rem3A_106 = arith.constant 25 : i32
          %rem3A_107 = arith.remsi %add3A_88, %rem3A_106 : i32
          %mul3A_108 = arith.constant 8 : i32
          %mul3A_109 = arith.muli %rem3A_107, %mul3A_108 : i32
          %multiple_of3A = tpu.assume_multiple %mul3A_109, 8 : i32
          %dma_start3A = arith.constant 0 : i32
          %dma_start3A_110 = arith.constant 0 : i32
          %dma_start3A_111 = tpu.memref_slice %arg6[%rem3A_69, %dma_start3A, %dma_start3A_110] : memref<3x8x4096xf32, #tpu.memory_space<vmem>> -> memref<1x8x4096xf32, #tpu.memory_space<vmem>>
          %dma_start3A_112 = tpu.memref_squeeze %dma_start3A_111 : memref<1x8x4096xf32, #tpu.memory_space<vmem>> -> memref<8x4096xf32, #tpu.memory_space<vmem>>
          %dma_start3A_113 = tpu.memref_slice %arg5[%multiple_of3A] : memref<200xi32, #tpu.memory_space<vmem>> -> memref<8xi32, #tpu.memory_space<vmem>>
          %dma_start3A_114 = arith.constant 0 : i32
          %dma_start3A_115 = arith.constant 0 : i32
          %dma_start3A_116 = tpu.memref_slice %arg2[%select_n3A, %dma_start3A_114, %dma_start3A_115] : memref<26x1000x4096xf32, #tpu.memory_space<hbm>> -> memref<1x1000x4096xf32, #tpu.memory_space<hbm>>
          %dma_start3A_117 = tpu.memref_squeeze %dma_start3A_116 : memref<1x1000x4096xf32, #tpu.memory_space<hbm>> -> memref<1000x4096xf32, #tpu.memory_space<hbm>>
          %dma_start3A_118 = arith.constant 0 : i32
          %dma_start3A_119 = arith.constant 0 : i32
          %dma_start3A_120 = tpu.memref_slice %dma_start3A_117[%dma_start3A_118, %dma_start3A_119] : memref<1000x4096xf32, #tpu.memory_space<hbm>> -> memref<1000x4096xf32, #tpu.memory_space<hbm>>
          %dma_start3A_121 = tpu.memref_slice %arg7[%rem3A_69] : memref<3x!tpu.dma_semaphore, #tpu.memory_space<semaphore_mem>> -> memref<1x!tpu.dma_semaphore, #tpu.memory_space<semaphore_mem>>
          %dma_start3A_122 = tpu.memref_squeeze %dma_start3A_121 : memref<1x!tpu.dma_semaphore, #tpu.memory_space<semaphore_mem>> -> memref<!tpu.dma_semaphore, #tpu.memory_space<semaphore_mem>>
          tpu.enqueue_indirect_dma source(%dma_start3A_120 : memref<1000x4096xf32, #tpu.memory_space<hbm>>) target(%dma_start3A_112 : memref<8x4096xf32, #tpu.memory_space<vmem>>) offsets(%dma_start3A_113 : memref<8xi32, #tpu.memory_space<vmem>>) semaphore(%dma_start3A_122 : memref<!tpu.dma_semaphore, #tpu.memory_space<semaphore_mem>>)
        } else {
        }
      } else {
      }
    }
    %scan3A_15 = arith.constant 21 : i32
    %add3A_16 = arith.constant 576 : i32
    %add3A_17 = arith.addi %add3A, %add3A_16 : i32
    %lt3A_18 = arith.constant 650 : i32
    %lt3A_19 = arith.cmpi slt, %add3A_17, %lt3A_18 : i32
    %convert_element_type3A_20 = arith.extui %lt3A_19 : i1 to i32
    %cond3A_21 = arith.constant 0 : i32
    %cond3A_22 = arith.cmpi ne, %convert_element_type3A_20, %cond3A_21 : i32
    scf.if %cond3A_22 {
      %add3A_37 = arith.constant 576 : i32
      %add3A_38 = arith.addi %add3A, %add3A_37 : i32
      %jit3A = arith.constant 25 : i32
      %div3A = arith.divsi %add3A_38, %jit3A : i32
      %sign3A = arith.constant 0 : i32
      %sign3A_39 = arith.cmpi sgt, %add3A_38, %sign3A : i32
      %sign3A_40 = arith.extui %sign3A_39 : i1 to i32
      %sign3A_41 = arith.constant 0 : i32
      %sign3A_42 = arith.cmpi slt, %add3A_38, %sign3A_41 : i32
      %sign3A_43 = arith.extui %sign3A_42 : i1 to i32
      %sign3A_44 = arith.subi %sign3A_40, %sign3A_43 : i32
      %sign3A_45 = arith.constant 0 : i32
      %sign3A_46 = arith.cmpi sgt, %jit3A, %sign3A_45 : i32
      %sign3A_47 = arith.extui %sign3A_46 : i1 to i32
      %sign3A_48 = arith.constant 0 : i32
      %sign3A_49 = arith.cmpi slt, %jit3A, %sign3A_48 : i32
      %sign3A_50 = arith.extui %sign3A_49 : i1 to i32
      %sign3A_51 = arith.subi %sign3A_47, %sign3A_50 : i32
      %ne3A = arith.cmpi ne, %sign3A_44, %sign3A_51 : i32
      %rem3A = arith.remsi %add3A_38, %jit3A : i32
      %ne3A_52 = arith.constant 0 : i32
      %ne3A_53 = arith.cmpi ne, %rem3A, %ne3A_52 : i32
      %and3A = arith.andi %ne3A, %ne3A_53 : i1
      %sub3A = arith.constant 1 : i32
      %sub3A_54 = arith.subi %div3A, %sub3A : i32
      %select_n3A = arith.select %and3A, %sub3A_54, %div3A : i32
      %rem3A_55 = arith.constant 25 : i32
      %rem3A_56 = arith.remsi %add3A_38, %rem3A_55 : i32
      %mul3A_57 = arith.constant 8 : i32
      %mul3A_58 = arith.muli %rem3A_56, %mul3A_57 : i32
      %multiple_of3A = tpu.assume_multiple %mul3A_58, 8 : i32
      %dma_wait3A = arith.constant 0 : i32
      %dma_wait3A_59 = arith.constant 0 : i32
      %dma_wait3A_60 = arith.constant 0 : i32
      %dma_wait3A_61 = arith.constant 0 : i32
      %dma_wait3A_62 = tpu.memref_slice %arg6[%dma_wait3A, %dma_wait3A_60, %dma_wait3A_61] : memref<3x8x4096xf32, #tpu.memory_space<vmem>> -> memref<1x8x4096xf32, #tpu.memory_space<vmem>>
      %dma_wait3A_63 = tpu.memref_squeeze %dma_wait3A_62 : memref<1x8x4096xf32, #tpu.memory_space<vmem>> -> memref<8x4096xf32, #tpu.memory_space<vmem>>
      %dma_wait3A_64 = arith.constant 0 : i32
      %dma_wait3A_65 = tpu.memref_slice %arg4[%select_n3A, %multiple_of3A, %dma_wait3A_64] : memref<26x200x4096xf32, #tpu.memory_space<hbm>> -> memref<1x8x4096xf32, #tpu.memory_space<hbm>>
      %dma_wait3A_66 = tpu.memref_squeeze %dma_wait3A_65 : memref<1x8x4096xf32, #tpu.memory_space<hbm>> -> memref<8x4096xf32, #tpu.memory_space<hbm>>
      %dma_wait3A_67 = tpu.memref_slice %arg8[%dma_wait3A_59] : memref<3x!tpu.dma_semaphore, #tpu.memory_space<semaphore_mem>> -> memref<1x!tpu.dma_semaphore, #tpu.memory_space<semaphore_mem>>
      %dma_wait3A_68 = tpu.memref_squeeze %dma_wait3A_67 : memref<1x!tpu.dma_semaphore, #tpu.memory_space<semaphore_mem>> -> memref<!tpu.dma_semaphore, #tpu.memory_space<semaphore_mem>>
      %dma_wait3A_69 = arith.constant 0 : i32
      %dma_wait3A_70 = tpu.memref_slice %arg4[%select_n3A, %multiple_of3A, %dma_wait3A_69] : memref<26x200x4096xf32, #tpu.memory_space<hbm>> -> memref<1x8x4096xf32, #tpu.memory_space<hbm>>
      %dma_wait3A_71 = tpu.memref_squeeze %dma_wait3A_70 : memref<1x8x4096xf32, #tpu.memory_space<hbm>> -> memref<8x4096xf32, #tpu.memory_space<hbm>>
      %dma_wait3A_72 = arith.constant 0 : i32
      %dma_wait3A_73 = arith.constant 0 : i32
      %dma_wait3A_74 = tpu.memref_slice %arg6[%dma_wait3A, %dma_wait3A_72, %dma_wait3A_73] : memref<3x8x4096xf32, #tpu.memory_space<vmem>> -> memref<1x8x4096xf32, #tpu.memory_space<vmem>>
      %dma_wait3A_75 = tpu.memref_squeeze %dma_wait3A_74 : memref<1x8x4096xf32, #tpu.memory_space<vmem>> -> memref<8x4096xf32, #tpu.memory_space<vmem>>
      tpu.wait_dma2 semaphore(%dma_wait3A_68 : memref<!tpu.dma_semaphore, #tpu.memory_space<semaphore_mem>>) src(%dma_wait3A_75 : memref<8x4096xf32, #tpu.memory_space<vmem>>) dst(%dma_wait3A_71 : memref<8x4096xf32, #tpu.memory_space<hbm>>)
    } else {
    }
    %add3A_23 = arith.constant 608 : i32
    %add3A_24 = arith.addi %add3A, %add3A_23 : i32
    %lt3A_25 = arith.constant 650 : i32
    %lt3A_26 = arith.cmpi slt, %add3A_24, %lt3A_25 : i32
    %convert_element_type3A_27 = arith.extui %lt3A_26 : i1 to i32
    %cond3A_28 = arith.constant 0 : i32
    %cond3A_29 = arith.cmpi ne, %convert_element_type3A_27, %cond3A_28 : i32
    scf.if %cond3A_29 {
      %add3A_37 = arith.constant 608 : i32
      %add3A_38 = arith.addi %add3A, %add3A_37 : i32
      %jit3A = arith.constant 25 : i32
      %div3A = arith.divsi %add3A_38, %jit3A : i32
      %sign3A = arith.constant 0 : i32
      %sign3A_39 = arith.cmpi sgt, %add3A_38, %sign3A : i32
      %sign3A_40 = arith.extui %sign3A_39 : i1 to i32
      %sign3A_41 = arith.constant 0 : i32
      %sign3A_42 = arith.cmpi slt, %add3A_38, %sign3A_41 : i32
      %sign3A_43 = arith.extui %sign3A_42 : i1 to i32
      %sign3A_44 = arith.subi %sign3A_40, %sign3A_43 : i32
      %sign3A_45 = arith.constant 0 : i32
      %sign3A_46 = arith.cmpi sgt, %jit3A, %sign3A_45 : i32
      %sign3A_47 = arith.extui %sign3A_46 : i1 to i32
      %sign3A_48 = arith.constant 0 : i32
      %sign3A_49 = arith.cmpi slt, %jit3A, %sign3A_48 : i32
      %sign3A_50 = arith.extui %sign3A_49 : i1 to i32
      %sign3A_51 = arith.subi %sign3A_47, %sign3A_50 : i32
      %ne3A = arith.cmpi ne, %sign3A_44, %sign3A_51 : i32
      %rem3A = arith.remsi %add3A_38, %jit3A : i32
      %ne3A_52 = arith.constant 0 : i32
      %ne3A_53 = arith.cmpi ne, %rem3A, %ne3A_52 : i32
      %and3A = arith.andi %ne3A, %ne3A_53 : i1
      %sub3A = arith.constant 1 : i32
      %sub3A_54 = arith.subi %div3A, %sub3A : i32
      %select_n3A = arith.select %and3A, %sub3A_54, %div3A : i32
      %rem3A_55 = arith.constant 25 : i32
      %rem3A_56 = arith.remsi %add3A_38, %rem3A_55 : i32
      %mul3A_57 = arith.constant 8 : i32
      %mul3A_58 = arith.muli %rem3A_56, %mul3A_57 : i32
      %multiple_of3A = tpu.assume_multiple %mul3A_58, 8 : i32
      %dma_wait3A = arith.constant 1 : i32
      %dma_wait3A_59 = arith.constant 1 : i32
      %dma_wait3A_60 = arith.constant 0 : i32
      %dma_wait3A_61 = arith.constant 0 : i32
      %dma_wait3A_62 = tpu.memref_slice %arg6[%dma_wait3A, %dma_wait3A_60, %dma_wait3A_61] : memref<3x8x4096xf32, #tpu.memory_space<vmem>> -> memref<1x8x4096xf32, #tpu.memory_space<vmem>>
      %dma_wait3A_63 = tpu.memref_squeeze %dma_wait3A_62 : memref<1x8x4096xf32, #tpu.memory_space<vmem>> -> memref<8x4096xf32, #tpu.memory_space<vmem>>
      %dma_wait3A_64 = arith.constant 0 : i32
      %dma_wait3A_65 = tpu.memref_slice %arg4[%select_n3A, %multiple_of3A, %dma_wait3A_64] : memref<26x200x4096xf32, #tpu.memory_space<hbm>> -> memref<1x8x4096xf32, #tpu.memory_space<hbm>>
      %dma_wait3A_66 = tpu.memref_squeeze %dma_wait3A_65 : memref<1x8x4096xf32, #tpu.memory_space<hbm>> -> memref<8x4096xf32, #tpu.memory_space<hbm>>
      %dma_wait3A_67 = tpu.memref_slice %arg8[%dma_wait3A_59] : memref<3x!tpu.dma_semaphore, #tpu.memory_space<semaphore_mem>> -> memref<1x!tpu.dma_semaphore, #tpu.memory_space<semaphore_mem>>
      %dma_wait3A_68 = tpu.memref_squeeze %dma_wait3A_67 : memref<1x!tpu.dma_semaphore, #tpu.memory_space<semaphore_mem>> -> memref<!tpu.dma_semaphore, #tpu.memory_space<semaphore_mem>>
      %dma_wait3A_69 = arith.constant 0 : i32
      %dma_wait3A_70 = tpu.memref_slice %arg4[%select_n3A, %multiple_of3A, %dma_wait3A_69] : memref<26x200x4096xf32, #tpu.memory_space<hbm>> -> memref<1x8x4096xf32, #tpu.memory_space<hbm>>
      %dma_wait3A_71 = tpu.memref_squeeze %dma_wait3A_70 : memref<1x8x4096xf32, #tpu.memory_space<hbm>> -> memref<8x4096xf32, #tpu.memory_space<hbm>>
      %dma_wait3A_72 = arith.constant 0 : i32
      %dma_wait3A_73 = arith.constant 0 : i32
      %dma_wait3A_74 = tpu.memref_slice %arg6[%dma_wait3A, %dma_wait3A_72, %dma_wait3A_73] : memref<3x8x4096xf32, #tpu.memory_space<vmem>> -> memref<1x8x4096xf32, #tpu.memory_space<vmem>>
      %dma_wait3A_75 = tpu.memref_squeeze %dma_wait3A_74 : memref<1x8x4096xf32, #tpu.memory_space<vmem>> -> memref<8x4096xf32, #tpu.memory_space<vmem>>
      tpu.wait_dma2 semaphore(%dma_wait3A_68 : memref<!tpu.dma_semaphore, #tpu.memory_space<semaphore_mem>>) src(%dma_wait3A_75 : memref<8x4096xf32, #tpu.memory_space<vmem>>) dst(%dma_wait3A_71 : memref<8x4096xf32, #tpu.memory_space<hbm>>)
    } else {
    }
    %add3A_30 = arith.constant 640 : i32
    %add3A_31 = arith.addi %add3A, %add3A_30 : i32
    %lt3A_32 = arith.constant 650 : i32
    %lt3A_33 = arith.cmpi slt, %add3A_31, %lt3A_32 : i32
    %convert_element_type3A_34 = arith.extui %lt3A_33 : i1 to i32
    %cond3A_35 = arith.constant 0 : i32
    %cond3A_36 = arith.cmpi ne, %convert_element_type3A_34, %cond3A_35 : i32
    scf.if %cond3A_36 {
      %add3A_37 = arith.constant 640 : i32
      %add3A_38 = arith.addi %add3A, %add3A_37 : i32
      %jit3A = arith.constant 25 : i32
      %div3A = arith.divsi %add3A_38, %jit3A : i32
      %sign3A = arith.constant 0 : i32
      %sign3A_39 = arith.cmpi sgt, %add3A_38, %sign3A : i32
      %sign3A_40 = arith.extui %sign3A_39 : i1 to i32
      %sign3A_41 = arith.constant 0 : i32
      %sign3A_42 = arith.cmpi slt, %add3A_38, %sign3A_41 : i32
      %sign3A_43 = arith.extui %sign3A_42 : i1 to i32
      %sign3A_44 = arith.subi %sign3A_40, %sign3A_43 : i32
      %sign3A_45 = arith.constant 0 : i32
      %sign3A_46 = arith.cmpi sgt, %jit3A, %sign3A_45 : i32
      %sign3A_47 = arith.extui %sign3A_46 : i1 to i32
      %sign3A_48 = arith.constant 0 : i32
      %sign3A_49 = arith.cmpi slt, %jit3A, %sign3A_48 : i32
      %sign3A_50 = arith.extui %sign3A_49 : i1 to i32
      %sign3A_51 = arith.subi %sign3A_47, %sign3A_50 : i32
      %ne3A = arith.cmpi ne, %sign3A_44, %sign3A_51 : i32
      %rem3A = arith.remsi %add3A_38, %jit3A : i32
      %ne3A_52 = arith.constant 0 : i32
      %ne3A_53 = arith.cmpi ne, %rem3A, %ne3A_52 : i32
      %and3A = arith.andi %ne3A, %ne3A_53 : i1
      %sub3A = arith.constant 1 : i32
      %sub3A_54 = arith.subi %div3A, %sub3A : i32
      %select_n3A = arith.select %and3A, %sub3A_54, %div3A : i32
      %rem3A_55 = arith.constant 25 : i32
      %rem3A_56 = arith.remsi %add3A_38, %rem3A_55 : i32
      %mul3A_57 = arith.constant 8 : i32
      %mul3A_58 = arith.muli %rem3A_56, %mul3A_57 : i32
      %multiple_of3A = tpu.assume_multiple %mul3A_58, 8 : i32
      %dma_wait3A = arith.constant 2 : i32
      %dma_wait3A_59 = arith.constant 2 : i32
      %dma_wait3A_60 = arith.constant 0 : i32
      %dma_wait3A_61 = arith.constant 0 : i32
      %dma_wait3A_62 = tpu.memref_slice %arg6[%dma_wait3A, %dma_wait3A_60, %dma_wait3A_61] : memref<3x8x4096xf32, #tpu.memory_space<vmem>> -> memref<1x8x4096xf32, #tpu.memory_space<vmem>>
      %dma_wait3A_63 = tpu.memref_squeeze %dma_wait3A_62 : memref<1x8x4096xf32, #tpu.memory_space<vmem>> -> memref<8x4096xf32, #tpu.memory_space<vmem>>
      %dma_wait3A_64 = arith.constant 0 : i32
      %dma_wait3A_65 = tpu.memref_slice %arg4[%select_n3A, %multiple_of3A, %dma_wait3A_64] : memref<26x200x4096xf32, #tpu.memory_space<hbm>> -> memref<1x8x4096xf32, #tpu.memory_space<hbm>>
      %dma_wait3A_66 = tpu.memref_squeeze %dma_wait3A_65 : memref<1x8x4096xf32, #tpu.memory_space<hbm>> -> memref<8x4096xf32, #tpu.memory_space<hbm>>
      %dma_wait3A_67 = tpu.memref_slice %arg8[%dma_wait3A_59] : memref<3x!tpu.dma_semaphore, #tpu.memory_space<semaphore_mem>> -> memref<1x!tpu.dma_semaphore, #tpu.memory_space<semaphore_mem>>
      %dma_wait3A_68 = tpu.memref_squeeze %dma_wait3A_67 : memref<1x!tpu.dma_semaphore, #tpu.memory_space<semaphore_mem>> -> memref<!tpu.dma_semaphore, #tpu.memory_space<semaphore_mem>>
      %dma_wait3A_69 = arith.constant 0 : i32
      %dma_wait3A_70 = tpu.memref_slice %arg4[%select_n3A, %multiple_of3A, %dma_wait3A_69] : memref<26x200x4096xf32, #tpu.memory_space<hbm>> -> memref<1x8x4096xf32, #tpu.memory_space<hbm>>
      %dma_wait3A_71 = tpu.memref_squeeze %dma_wait3A_70 : memref<1x8x4096xf32, #tpu.memory_space<hbm>> -> memref<8x4096xf32, #tpu.memory_space<hbm>>
      %dma_wait3A_72 = arith.constant 0 : i32
      %dma_wait3A_73 = arith.constant 0 : i32
      %dma_wait3A_74 = tpu.memref_slice %arg6[%dma_wait3A, %dma_wait3A_72, %dma_wait3A_73] : memref<3x8x4096xf32, #tpu.memory_space<vmem>> -> memref<1x8x4096xf32, #tpu.memory_space<vmem>>
      %dma_wait3A_75 = tpu.memref_squeeze %dma_wait3A_74 : memref<1x8x4096xf32, #tpu.memory_space<vmem>> -> memref<8x4096xf32, #tpu.memory_space<vmem>>
      tpu.wait_dma2 semaphore(%dma_wait3A_68 : memref<!tpu.dma_semaphore, #tpu.memory_space<semaphore_mem>>) src(%dma_wait3A_75 : memref<8x4096xf32, #tpu.memory_space<vmem>>) dst(%dma_wait3A_71 : memref<8x4096xf32, #tpu.memory_space<hbm>>)
    } else {
    }
    return
  }
}

</mosaic_0001>

<sc_bundles>
// kernel: kernel.3.cloned.1.call-start
scs
__scs_entry_jumppad:
0x0: {  	(pc) =	sbr.rel $0x88, $3  }
0x1: {  	(tag) =	ssettag $0x0;
	lr =	simm.s32 $0x1  }
0x2: {  	[smem:$0x3F9F] =	sst lr;
	_ =	strace $0xD0000000  }
0x3: {  	_ = 	snop  }
0x4: {  	_ = 	snop  }
0x5: {  	_ = 	snop  }
0x6: {  	_ = 	snop  }
0x7: {  	_ = 	snop  }
__scs_overlays_trampoline_lowered:
0x8: {  	[smem:$0x3FAE] =	sst s0  }
0x9: {  	[smem:$0x3FAF] =	sst s1  }
0xa: {  	[smem:$0x3FB0] =	sst s2  }
0xb: {  	[smem:$0x3FB1] =	sst s3  }
0xc: {  	[smem:$0x3FB2] =	sst s4  }
0xd: {  	[smem:$0x3FB3] =	sst s5  }
0xe: {  	[smem:$0x3FB4] =	sst s6  }
0xf: {  	[smem:$0x3FB5] =	sst s7  }
0x10: {  	[smem:$0x3FB6] =	sst s8  }
0x11: {  	[smem:$0x3FB7] =	sst s9;
	s0 =	simm.s32 @!p0 $0x0  }
0x12: {  	s1 =	sld [smem:$0x3F9D];
	s0 =	simm.s32 @p0 $0x1  }
0x13: {  	[smem:$0x3FB8] =	sst s0;
	s0 =	simm.s32 @!p1 $0x0  }
0x14: {  	s2 =	sld [smem:$0x3F9C];
	s0 =	simm.s32 @p1 $0x1  }
0x15: {  	[smem:$0x3FB9] =	sst s0;
	s0 =	simm.s32 @!p2 $0x0  }
0x16: {  	s3 =	sld [smem:$0x3FDB];
	s0 =	simm.s32 @p2 $0x1  }
0x17: {  	s4 =	simm.s32 $0x1BF5;
	[smem:$0x3FBB] =	sst s0  }
0x18: {  	s0 =	sld [smem:$0x3F9E];
	_ =	swait.ge [sflag:s4], $0x0  }
0x19: {  	s7 =	sld [smem:$0x3F9F]  }
0x1a: {  	s8 =	sadd.s32 $0xFFFFE003, lr  }
0x1b: {  	s9 =	sadd.s32 $0xFFFFFEF7, lr;
	s5 =	simm.s32 $0xFFFFFFFF;
	p2 =	slt.u32 s8, $0xFFFFF086  }
0x1c: {  	p1 =	slt.u32 s9, $0xF7A;
	s5 =	simm.s32 @!p2 $0x0  }
0x1d: {  	s5 =	simm.s32 @p1 $0x1;
	p0 =	seq.s32 s7, s2  }
0x1e: {  	s7 =	smul.u32 @!p0 $0xF7A, s2;
	p2 =	seq.s32 @!p0 s5, $0x0  }
0x1f: {  	s9 =	smul.u32 $0xF7A, s1;
	s8 =	simm.s32 @!p0 $0x1BF5;
	p2 =	por !p2, p0  }
0x20: {  	[sflag:s8] =	ssyncset.s32 @!p0 $0xFFFFF086;
	s6 =	sadd.s32 @!p0 s3, s7;
	s7 =	simm.s32 @!p0 $0x108  }
0x21: {  	s3 =	sadd.s32 s3, s9;
	s6 =	sadd.s32 @!p0 $0x88, s6;
	s7 =	simm.s32 @p2 $0x1082  }
0x22: {  	[simem:s7], [sflag:s8] =	dma.local @!p0 [hbm:s6], $0xF7A  }
0x23: {  	s9 =	sor.u32 $0xD0000000, s2;
	s6 =	simm.s32 $0x108;
	_ =	swait.ge @!p0 [sflag:s8], $0x0  }
0x24: {  	s3 =	sadd.s32 $0x88, s3;
	s6 =	simm.s32 @!p1 $0x1082;
	[sflag:s4] =	ssyncset.s32 $0xFFFFF086  }
0x25: {  	[simem:s6], [sflag:s4] =	dma.local [hbm:s3], $0xF7A  }
0x26: {  	[smem:$0x3F9F] =	sst s1;
	(tag) =	ssettag s2;
	_ =	strace s9  }
0x27: {  	s1 =	sld [smem:$0x3FAF]  }
0x28: {  	s2 =	sld [smem:$0x3FB0]  }
0x29: {  	s4 =	sld [smem:$0x3FB2]  }
0x2a: {  	p0 =	seq.s32 s5, $0x0;
	s5 =	sld [smem:$0x3FB3]  }
0x2b: {  	s6 =	sld [smem:$0x3FB4]  }
0x2c: {  	s7 =	sld [smem:$0x3FB5]  }
0x2d: {  	s3 =	simm.s32 $0x108;
	s8 =	sld [smem:$0x3FB6]  }
0x2e: {  	s3 =	simm.s32 @!p0 $0x1082;
	s9 =	sld [smem:$0x3FB7]  }
0x2f: {  	lr =	sadd.s32 s0, s3;
	s0 =	sld [smem:$0x3FAE]  }
0x30: {  	s3 =	sld [smem:$0x3FB1]  }
0x31: {  	[smem:$0x3FBA] =	sst s10  }
0x32: {  	s10 =	sld [smem:$0x3FB8];
	_ =	sdelay $0x3  }
0x33: {  	p0 =	seq.s32 s10, $0x1;
	s10 =	sld [smem:$0x3FBA];
	_ =	sdelay $0x3  }
0x34: {  	[smem:$0x3FBA] =	sst s10  }
0x35: {  	s10 =	sld [smem:$0x3FB9];
	_ =	sdelay $0x3  }
0x36: {  	p1 =	seq.s32 s10, $0x1;
	s10 =	sld [smem:$0x3FBA];
	_ =	sdelay $0x3  }
0x37: {  	[smem:$0x3FBA] =	sst s10  }
0x38: {  	s10 =	sld [smem:$0x3FBB]  }
0x39: {  	_ = 	snop;
	(pc) =	sbr.ind lr, $3  }
0x3a: {  	_ = 	snop  }
0x3b: {  	_ = 	snop  }
0x3c: {  	p2 =	seq.s32 s10, $0x1;
	s10 =	sld [smem:$0x3FBA]  }
0x3d: {  	_ =	shalt  }
0x3e: {  	_ =	shalt  }
0x3f: {  	_ =	shalt  }
0x40: {  	_ =	shalt  }
0x41: {  	_ =	shalt  }
0x42: {  	_ =	shalt  }
0x43: {  	_ =	shalt  }
0x44: {  	_ =	shalt  }
0x45: {  	_ =	shalt  }
0x46: {  	_ =	shalt  }
0x47: {  	_ =	shalt  }
0x48: {  	_ =	shalt  }
0x49: {  	_ =	shalt  }
0x4a: {  	_ =	shalt  }
0x4b: {  	_ =	shalt  }
0x4c: {  	_ =	shalt  }
0x4d: {  	_ =	shalt  }
0x4e: {  	_ =	shalt  }
0x4f: {  	_ =	shalt  }
0x50: {  	_ =	shalt  }
0x51: {  	_ =	shalt  }
0x52: {  	_ =	shalt  }
0x53: {  	_ =	shalt  }
0x54: {  	_ =	shalt  }
0x55: {  	_ =	shalt  }
0x56: {  	_ =	shalt  }
0x57: {  	_ =	shalt  }
0x58: {  	_ =	shalt  }
0x59: {  	_ =	shalt  }
0x5a: {  	_ =	shalt  }
0x5b: {  	_ =	shalt  }
0x5c: {  	_ =	shalt  }
0x5d: {  	_ =	shalt  }
0x5e: {  	_ =	shalt  }
0x5f: {  	_ =	shalt  }
0x60: {  	_ =	shalt  }
0x61: {  	_ =	shalt  }
0x62: {  	_ =	shalt  }
0x63: {  	_ =	shalt  }
0x64: {  	_ =	shalt  }
0x65: {  	_ =	shalt  }
0x66: {  	_ =	shalt  }
0x67: {  	_ =	shalt  }
0x68: {  	_ =	shalt  }
0x69: {  	_ =	shalt  }
0x6a: {  	_ =	shalt  }
0x6b: {  	_ =	shalt  }
0x6c: {  	_ =	shalt  }
0x6d: {  	_ =	shalt  }
0x6e: {  	_ =	shalt  }
0x6f: {  	_ =	shalt  }
0x70: {  	_ =	shalt  }
0x71: {  	_ =	shalt  }
0x72: {  	_ =	shalt  }
0x73: {  	_ =	shalt  }
0x74: {  	_ =	shalt  }
0x75: {  	_ =	shalt  }
0x76: {  	_ =	shalt  }
0x77: {  	_ =	shalt  }
0x78: {  	_ =	shalt  }
0x79: {  	_ =	shalt  }
0x7a: {  	_ =	shalt  }
0x7b: {  	_ =	shalt  }
0x7c: {  	_ =	shalt  }
0x7d: {  	_ =	shalt  }
0x7e: {  	_ =	shalt  }
0x7f: {  	_ =	shalt  }
0x80: {  	_ =	shalt  }
0x81: {  	_ =	shalt  }
0x82: {  	_ =	shalt  }
0x83: {  	_ =	shalt  }
0x84: {  	_ =	shalt  }
0x85: {  	_ =	shalt  }
0x86: {  	_ =	shalt  }
0x87: {  	_ =	shalt  }
.Lfunc_end0:
.L_simem_size_0:
called_computation_lowered:
.L_overlay_start_0:
0x88: {  	s2 =	sld [smem:$0x3FD9]  }
0x89: {  	s3 =	sld [smem:$0x3FFE];
	_ =	sdelay $0x1  }
0x8a: {  	s1 =	srdreg.scid  }
0x8b: {  	s0 =	sand.u32 $0x1, s1  }
0x8c: {  	s18 =	sshll.u32 s0, $0xA;
	s2 =	sadd.s32 s3, s2  }
0x8d: {  	s2 =	sadd.s32 s2, s18  }
0x8e: {  	[smem:$0x3FC6] =	sst s2  }
0x8f: {  	_ = 	snop  }
0x90: {  	s2 =	sld [smem:$0x3FC9]  }
0x91: {  	s19 =	sld [smem:$0x3FC8]  }
0x92: {  	s4 =	sld [smem:$0x3FD0];
	(tm) =	ssettm $0x1  }
0x93: {  	s5 =	sld [smem:$0x3FFB];
	_ =	sdelay $0x3  }
0x94: {  	_ =	strace s5  }
0x95: {  	s5 =	sld [smem:$0x3FFC];
	_ =	sdelay $0x3  }
0x96: {  	_ =	strace s5  }
0x97: {  	s5 =	sld [smem:$0x3FFD];
	_ =	sdelay $0x3  }
0x98: {  	_ =	strace s5  }
0x99: {  	_ =	strace $0x8FFFFFFF  }
0x9a: {  	s20 =	sld [smem:$0x3FDB];
	_ =	sdelay $0x1  }
0x9b: {  	s6 =	simm.s32 $_scs_section_size  }
0x9c: {  	s7 =	simm.s32 $_size__tile_overlayer_lowered;
	s8 =	simm.s32 $_tile_overlayer_lowered  }
0x9d: {  	s23 =	simm.s32 $0x1BFF;
	s22 =	sshll.u32 s8, $0x1;
	s5 =	sadd.s32 s6, s20  }
0x9e: {  	s9 =	simm.s32 $0x0;
	s21 =	sshll.u32 s7, $0x1;
	s7 =	sadd.s32 s22, s5  }
0x9f: {  	[timem:s9], [sflag:s23] =	dma.local [hbm:s7], s21  }
0xa0: {  	_ =	swait.ge [sflag:s23], s21  }
0xa1: {  	s6 =	ssub.s32 $0x0, s21;
	[sflag:s23] =	ssyncset.done $0x0  }
0xa2: {  	[sflag:s23] =	ssyncadd.s32 s6;
	_ =	sdelay $0x1  }
0xa3: {  	s24 =	simm.s32 $0x1B8B  }
0xa4: {  	_ =	swait.ge [sflag:s24], $0x1  }
0xa5: {  	[sflag:s24] =	ssyncset.done $0x0  }
0xa6: {  	s25 =	simm.s32 $0x1B8E;
	[sflag:s24] =	ssyncadd.s32 $0xFFFFFFFF  }
0xa7: {  	s26 =	simm.s32 $execute0_lowered;
	[smem:$0x3FD2] =	sst s25  }
0xa8: {  	s6 =	sshll.u32 s26, $0x1;
	_ =	strace $0x80000046;
	[dreg:$0x1] =	wrdreg $0xFFFFFFFF  }
0xa9: {  	s28 =	simm.s32 $_size_execute0_lowered;
	s5 =	sadd.s32 s5, s6;
	[dreg:$0x0] =	wrdreg $0x0  }
0xaa: {  	s6 =	sshll.u32 s28, $0x1;
	[dreg:$0x2] =	wrdreg s5  }
0xab: {  	[dreg:$0x3] =	wrdreg s6  }
0xac: {  	[dreg:$0x4] =	wrdreg $0xC0  }
0xad: {  	_ =	task [dreg:s9], $0x5FFFF  }
0xae: {  	[dreg:$0x1] =	wrdreg $0xFFFFFFFF  }
0xaf: {  	[dreg:$0x0] =	wrdreg $0x60  }
0xb0: {  	[dreg:$0x2] =	wrdreg s2  }
0xb1: {  	[dreg:$0x3] =	wrdreg s19  }
0xb2: {  	[dreg:$0x4] =	wrdreg s4  }
0xb3: {  	[dreg:$0x5] =	wrdreg $0x9  }
0xb4: {  	_ =	task.clear_ibuf [dreg:s9], $0x6FFFF;
	_ =	strace $0x90000046  }
0xb5: {  	s29 =	simm.s32 $0x9;
	_ =	strace $0x80000048  }
0xb6: {  	_ =	swait.ge [sflag:s29], $0x1  }
0xb7: {  	[sflag:s29] =	ssyncadd.s32 $0xFFFFFFFF  }
0xb8: {  	_ =	strace $0x90000048  }
0xb9: {  	_ =	sfence  }
0xba: {  	s30 =	sld [smem:$0x0];
	_ =	sdelay $0x2  }
0xbb: {  	s31 =	sshll.u32 s1, $0xD;
	s1 =	sshrl.u32 s1, $0x2  }
0xbc: {  	s3 =	sand.u32 $0x4000, s31;
	s1 =	sadd.s32 s1, s30  }
0xbd: {  	s0 =	sor.u32 s3, s0;
	s1 =	sshll.u32 s1, $0x11  }
0xbe: {  	s0 =	sor.u32 s1, s0  }
0xbf: {  	s0 =	sadd.s32 $0x8F2B, s0  }
0xc0: {  	[sflag:s0] =	ssyncadd.remote.s32 $0x1  }
0xc1: {  	_ =	sfence.sel $0xFFFF  }
0xc2: {  	[dreg:$0x0] =	wrdreg $0xFFFFFFFF;
	(pc) =	sbr.abs _section_cstart, $3  }
0xc3: {  	[dreg:$0x1] =	wrdreg $0xFFFFFFFF  }
0xc4: {  	_ =	task.clear_ibuf [dreg:s9], $0x2FFFF;
	_ =	strace $0x9FFFFFFF  }
0xc5: {  	(tm) =	ssettm $0x7FFFFFFF  }
tec
execute0_lowered:
.L_overlay_start_1:
0x0: {  	(tag) =	ssettag $0x1  }
0x1: {  	s0 =	srdreg.scid;
	s1 =	rddreg [dreg:$0x0]  }
0x2: {  	s11 =	stileid.u32;
	s4 =	rddreg [dreg:$0x2];
	s5 =	simm.s32 $0x0  }
0x3: {  	s12 =	simm.s32 $0x7;
	s13 =	simm.s32 $0xF100;
	s15 =	simm.s32 $0xF900  }
0x4: {  	s17 =	simm.s32 $0x4;
	s19 =	simm.s32 $0x5;
	s21 =	simm.s32 $0x0  }
0x5: {  	s0 =	sand.u32 $0x1, s0;
	s2 =	sshll.u32 s11, $0x1;
	[smem:$0x7FF] =	sst s5  }
0x6: {  	s2 =	sor.u32 s0, s2;
	_ =	strace $0x80000047;
	s0 =	ssub.s32 $0x2, s0  }
0x7: {  	s3 =	sor.u32 $0x20, s2;
	s7 =	sshrl.u32 s0, $0x1;
	s8 =	sshll.u32 s2, $0x5  }
0x8: {  	p0 =	slt.u32 s2, $0x19;
	p1 =	sgt.u32 s2, $0x18;
	s6 =	sand.u32 $0xFF, s3  }
0x9: {  	s0 =	ssub.s32 s0, s7;
	s7 =	simm.s32 $0x7D000;
	s6 =	smul.u32 $0x29, s6  }
0xa: {  	s23 =	sadd.s32 $0x40, s2;
	s9 =	sadd.s32 $0xFFFFFCE0, s8;
	s7 =	simm.s32 @!p1 $0x0  }
0xb: {  	s9 =	smov.u32 @p0 s8;
	s7 =	sadd.s32 s1, s7;
	s6 =	sshrl.u32 s6, $0xA  }
0xc: {  	p0 =	sgt.u32 s11, $0x4;
	s14 =	sadd.s32 $0x100, s7;
	s10 =	smul.u32 $0x19, s6  }
.Ltmp0:
0xd: {  	s16 =	sadd.s32 $0x200, s7;
	s18 =	sadd.s32 $0x300, s7;
	(pc) =	sbr.rel .LBB2_1-.Ltmp0, $4  }
0xe: {  	s20 =	sadd.s32 $0x400, s7;
	s22 =	sadd.s32 $0x500, s7;
	s31 =	smul.u32 $0x7D000, s6  }
0xf: {  	v0 =	vlaneseq.u32;
	s24 =	sadd.s32 $0x600, s7;
	s6 =	sshra.s32 s9, $0x2;
	s3 =	ssub.s32 s3, s10  }
0x10: {  	v1 =	vshrl.u32 v0, $0x3;
	s9 =	sadd.s32 s1, s31;
	s10 =	smax.u32 s0, $0x1;
	s3 =	sand.u32 $0xFF, s3  }
0x11: {  	vm0 =	vmmov $0xffff;
	v0 =	vand.u32 $0x7, v0;
	v1 =	vmul.u32 $0x8, v1;
	s0 =	simm.s32 $0xE100;
	s8 =	sshll.u32 s3, $0x3;
	s3 =	simm.s32 $0xE900  }
.LBB2_5:
0x12: {  	_ =	swait.ge [sflag:s17], $0x8000  }
0x13: {  	[sflag:s17] =	ssyncset.done $0x0  }
0x14: {  	s21 =	sadd.s32 $0x1, s21;
	[sflag:s17] =	ssyncadd.s32 $0xFFFF8000  }
0x15: {  	p1 =	sne.s32 s21, s10;
	_ =	swait.ge [sflag:s19], $0x8000  }
.Ltmp1:
0x16: {  	[sflag:s19] =	ssyncset.done $0x0;
	(pc) =	sbr.rel @!p1 .LBB2_6-.Ltmp1, $4  }
0x17: {  	s2 =	simm.s32 @!p0 $0x6;
	[sflag:s19] =	ssyncadd.s32 $0xFFFF8000  }
0x18: {  	_ =	swait.ge @!p0 [sflag:s2], $0x8000  }
0x19: {  	[sflag:s2] =	ssyncset.done @!p0 $0x0  }
0x1a: {  	[sflag:s2] =	ssyncadd.s32 @!p0 $0xFFFF8000  }
.LBB2_1:
0x1b: {  	s2 =	rddreg [dreg:$0x1]  }
0x1c: {  	[tilespmem:s5], [sflag:$0x7] =	stream.linear.gather [hbm4b:s2+s5], $0x100, $0x38;
	[tilespmem:$0x18100] =	vst v63  }
0x1d: {  	_ =	swait.ge [sflag:s12], $0x100  }
0x1e: {  	[sflag:s12] =	ssyncset.done $0x0  }
0x1f: {  	[sflag:s12] =	ssyncadd.s32 $0xFFFFFF00  }
0x20: {  	v2 =	vld.msk [tilespmem:s6+$0x0], $0xff;
	_ =	sdelay $0x4  }
0x21: {  	v3 =	vshll.u32 v2, $0x5  }
0x22: {  	v2 =	vand.u32 $0x7, v2;
	v3 =	vand.u32 $0xFFFFFF00, v3  }
0x23: {  	v2 =	vor.u32 v2, v3  }
0x24: {  	v2 =	vperm.xlane v2, v0;
	_ =	sdelay $0x1  }
0x25: {  	v2 =	vadd.s32 v1, v2;
	_ =	sdelay $0x3  }
0x26: {  	s31 =	simm.s32 $0x100  }
0x27: {  	[tilespmem:s31], [sflag:$0x1] =	stream.indirect_vreg.gather [hbm4b:s7+s5], $0x80, v2, vm0, $0xb8;
	[tilespmem:$0x18100] =	vst v63  }
0x28: {  	s11 =	simm.s32 $0x900  }
0x29: {  	[tilespmem:s11], [sflag:$0x1] =	stream.indirect_vreg.gather [hbm4b:s14+s5], $0x80, v2, vm0, $0xb8;
	[tilespmem:$0x18100] =	vst v63  }
0x2a: {  	s25 =	simm.s32 $0x1100  }
0x2b: {  	[tilespmem:s25], [sflag:$0x1] =	stream.indirect_vreg.gather [hbm4b:s16+s5], $0x80, v2, vm0, $0xb8;
	[tilespmem:$0x18100] =	vst v63  }
0x2c: {  	s26 =	simm.s32 $0x1900  }
0x2d: {  	[tilespmem:s26], [sflag:$0x1] =	stream.indirect_vreg.gather [hbm4b:s18+s5], $0x80, v2, vm0, $0xb8;
	[tilespmem:$0x18100] =	vst v63  }
0x2e: {  	s28 =	simm.s32 $0x2100  }
0x2f: {  	[tilespmem:s28], [sflag:$0x1] =	stream.indirect_vreg.gather [hbm4b:s20+s5], $0x80, v2, vm0, $0xb8;
	[tilespmem:$0x18100] =	vst v63  }
0x30: {  	s29 =	simm.s32 $0x2900  }
0x31: {  	[tilespmem:s29], [sflag:$0x1] =	stream.indirect_vreg.gather [hbm4b:s22+s5], $0x80, v2, vm0, $0xb8;
	[tilespmem:$0x18100] =	vst v63  }
0x32: {  	s30 =	simm.s32 $0x3100  }
0x33: {  	[tilespmem:s30], [sflag:$0x1] =	stream.indirect_vreg.gather [hbm4b:s24+s5], $0x80, v2, vm0, $0xb8;
	[tilespmem:$0x18100] =	vst v63  }
0x34: {  	s31 =	simm.s32 $0x3900;
	s11 =	sadd.s32 $0x700, s7  }
0x35: {  	[tilespmem:s31], [sflag:$0x1] =	stream.indirect_vreg.gather [hbm4b:s11+s5], $0x80, v2, vm0, $0xb8;
	[tilespmem:$0x18100] =	vst v63  }
0x36: {  	s25 =	sadd.s32 $0x800, s7;
	s26 =	simm.s32 $0x4100  }
0x37: {  	[tilespmem:s26], [sflag:$0x1] =	stream.indirect_vreg.gather [hbm4b:s25+s5], $0x80, v2, vm0, $0xb8;
	[tilespmem:$0x18100] =	vst v63  }
0x38: {  	s28 =	sadd.s32 $0x900, s7;
	s29 =	simm.s32 $0x4900  }
0x39: {  	[tilespmem:s29], [sflag:$0x1] =	stream.indirect_vreg.gather [hbm4b:s28+s5], $0x80, v2, vm0, $0xb8;
	[tilespmem:$0x18100] =	vst v63  }
0x3a: {  	s30 =	sadd.s32 $0xA00, s7;
	s31 =	simm.s32 $0x5100  }
0x3b: {  	[tilespmem:s31], [sflag:$0x1] =	stream.indirect_vreg.gather [hbm4b:s30+s5], $0x80, v2, vm0, $0xb8;
	[tilespmem:$0x18100] =	vst v63  }
0x3c: {  	s25 =	sadd.s32 $0xB00, s7;
	s26 =	simm.s32 $0x5900  }
0x3d: {  	[tilespmem:s26], [sflag:$0x1] =	stream.indirect_vreg.gather [hbm4b:s25+s5], $0x80, v2, vm0, $0xb8;
	[tilespmem:$0x18100] =	vst v63  }
0x3e: {  	s28 =	sadd.s32 $0xC00, s7;
	s29 =	simm.s32 $0x6100  }
0x3f: {  	[tilespmem:s29], [sflag:$0x1] =	stream.indirect_vreg.gather [hbm4b:s28+s5], $0x80, v2, vm0, $0xb8;
	[tilespmem:$0x18100] =	vst v63  }
0x40: {  	s30 =	sadd.s32 $0xD00, s7;
	s31 =	simm.s32 $0x6900  }
0x41: {  	[tilespmem:s31], [sflag:$0x1] =	stream.indirect_vreg.gather [hbm4b:s30+s5], $0x80, v2, vm0, $0xb8;
	[tilespmem:$0x18100] =	vst v63  }
0x42: {  	s2 =	sadd.s32 $0xE00, s7;
	s25 =	simm.s32 $0x7100  }
0x43: {  	[tilespmem:s25], [sflag:$0x1] =	stream.indirect_vreg.gather [hbm4b:s2+s5], $0x80, v2, vm0, $0xb8;
	[tilespmem:$0x18100] =	vst v63  }
0x44: {  	s26 =	sadd.s32 $0xF00, s7;
	s28 =	simm.s32 $0x7900  }
0x45: {  	[tilespmem:s28], [sflag:$0x1] =	stream.indirect_vreg.gather [hbm4b:s26+s5], $0x80, v2, vm0, $0xb8;
	[tilespmem:$0x18100] =	vst v63  }
0x46: {  	v2 =	vld.msk [tilespmem:s8+$0x0], $0xff;
	_ =	sdelay $0x4  }
0x47: {  	v3 =	vshll.u32 v2, $0x5  }
0x48: {  	v2 =	vand.u32 $0x7, v2;
	v3 =	vand.u32 $0xFFFFFF00, v3  }
0x49: {  	v2 =	vor.u32 v2, v3  }
0x4a: {  	v2 =	vperm.xlane v2, v0;
	_ =	sdelay $0x1  }
0x4b: {  	v2 =	vadd.s32 v1, v2;
	_ =	sdelay $0x3  }
0x4c: {  	s29 =	simm.s32 $0x8100  }
0x4d: {  	[tilespmem:s29], [sflag:$0x2] =	stream.indirect_vreg.gather [hbm4b:s9+s5], $0x80, v2, vm0, $0xb8;
	[tilespmem:$0x18100] =	vst v63  }
0x4e: {  	s30 =	sadd.s32 $0x100, s9;
	s31 =	simm.s32 $0x8900  }
0x4f: {  	[tilespmem:s31], [sflag:$0x2] =	stream.indirect_vreg.gather [hbm4b:s30+s5], $0x80, v2, vm0, $0xb8;
	[tilespmem:$0x18100] =	vst v63  }
0x50: {  	s25 =	sadd.s32 $0x200, s9;
	s26 =	simm.s32 $0x9100  }
0x51: {  	[tilespmem:s26], [sflag:$0x2] =	stream.indirect_vreg.gather [hbm4b:s25+s5], $0x80, v2, vm0, $0xb8;
	[tilespmem:$0x18100] =	vst v63  }
0x52: {  	s28 =	sadd.s32 $0x300, s9;
	s29 =	simm.s32 $0x9900  }
0x53: {  	[tilespmem:s29], [sflag:$0x2] =	stream.indirect_vreg.gather [hbm4b:s28+s5], $0x80, v2, vm0, $0xb8;
	[tilespmem:$0x18100] =	vst v63  }
0x54: {  	s30 =	sadd.s32 $0x400, s9;
	s31 =	simm.s32 $0xA100  }
0x55: {  	[tilespmem:s31], [sflag:$0x2] =	stream.indirect_vreg.gather [hbm4b:s30+s5], $0x80, v2, vm0, $0xb8;
	[tilespmem:$0x18100] =	vst v63  }
0x56: {  	s25 =	sadd.s32 $0x500, s9;
	s26 =	simm.s32 $0xA900  }
0x57: {  	[tilespmem:s26], [sflag:$0x2] =	stream.indirect_vreg.gather [hbm4b:s25+s5], $0x80, v2, vm0, $0xb8;
	[tilespmem:$0x18100] =	vst v63  }
0x58: {  	s28 =	sadd.s32 $0x600, s9;
	s29 =	simm.s32 $0xB100  }
0x59: {  	[tilespmem:s29], [sflag:$0x2] =	stream.indirect_vreg.gather [hbm4b:s28+s5], $0x80, v2, vm0, $0xb8;
	[tilespmem:$0x18100] =	vst v63  }
0x5a: {  	s30 =	sadd.s32 $0x700, s9;
	s31 =	simm.s32 $0xB900  }
0x5b: {  	[tilespmem:s31], [sflag:$0x2] =	stream.indirect_vreg.gather [hbm4b:s30+s5], $0x80, v2, vm0, $0xb8;
	[tilespmem:$0x18100] =	vst v63  }
0x5c: {  	s25 =	sadd.s32 $0x800, s9;
	s26 =	simm.s32 $0xC100  }
0x5d: {  	[tilespmem:s26], [sflag:$0x2] =	stream.indirect_vreg.gather [hbm4b:s25+s5], $0x80, v2, vm0, $0xb8;
	[tilespmem:$0x18100] =	vst v63  }
0x5e: {  	s28 =	sadd.s32 $0x900, s9;
	s29 =	simm.s32 $0xC900  }
0x5f: {  	[tilespmem:s29], [sflag:$0x2] =	stream.indirect_vreg.gather [hbm4b:s28+s5], $0x80, v2, vm0, $0xb8;
	[tilespmem:$0x18100] =	vst v63  }
0x60: {  	s30 =	sadd.s32 $0xA00, s9;
	s31 =	simm.s32 $0xD100  }
0x61: {  	[tilespmem:s31], [sflag:$0x2] =	stream.indirect_vreg.gather [hbm4b:s30+s5], $0x80, v2, vm0, $0xb8;
	[tilespmem:$0x18100] =	vst v63  }
0x62: {  	s25 =	sadd.s32 $0xB00, s9;
	s26 =	simm.s32 $0xD900  }
0x63: {  	[tilespmem:s26], [sflag:$0x2] =	stream.indirect_vreg.gather [hbm4b:s25+s5], $0x80, v2, vm0, $0xb8;
	[tilespmem:$0x18100] =	vst v63  }
0x64: {  	s28 =	sadd.s32 $0xC00, s9  }
0x65: {  	[tilespmem:s0], [sflag:$0x2] =	stream.indirect_vreg.gather [hbm4b:s28+s5], $0x80, v2, vm0, $0xb8;
	[tilespmem:$0x18100] =	vst v63  }
0x66: {  	s29 =	sadd.s32 $0xD00, s9  }
0x67: {  	[tilespmem:s3], [sflag:$0x2] =	stream.indirect_vreg.gather [hbm4b:s29+s5], $0x80, v2, vm0, $0xb8;
	[tilespmem:$0x18100] =	vst v63  }
.Ltmp2:
0x68: {  	_ = 	snop;
	(pc) =	sbr.rel .LBB2_2-.Ltmp2, $4  }
0x69: {  	s30 =	sadd.s32 $0xE00, s9  }
0x6a: {  	[tilespmem:s13], [sflag:$0x2] =	stream.indirect_vreg.gather [hbm4b:s30+s5], $0x80, v2, vm0, $0xb8;
	[tilespmem:$0x18100] =	vst v63  }
0x6b: {  	s11 =	smov.u32 s23;
	s31 =	sadd.s32 $0xF00, s9;
	s25 =	simm.s32 $0x0  }
0x6c: {  	[tilespmem:s15], [sflag:$0x2] =	stream.indirect_vreg.gather [hbm4b:s31+s5], $0x80, v2, vm0, $0xb8;
	[tilespmem:$0x18100] =	vst v63  }
.LBB2_4:
0x6d: {  	s25 =	sadd.s32 $0x1, s25  }
0x6e: {  	p1 =	sne.s32 s25, $0x15  }
.Ltmp3:
0x6f: {  	_ = 	snop;
	(pc) =	sbr.rel @!p1 .LBB2_5-.Ltmp3, $2  }
0x70: {  	_ =	sdelay $0x2  }
0x71: {  	s11 =	sadd.s32 $0x20, s11  }
.LBB2_2:
0x72: {  	s26 =	sadd.s32 $0xFFFFFFC0, s11  }
0x73: {  	p1 =	sgt.u32 s26, $0x289  }
0x74: {  	s28 =	smul.u32 @!p1 $0x47AF, s26  }
0x75: {  	s29 =	smul.u32 @!p1 $0xAB, s25  }
0x76: {  	s28 =	sshrl.u32 @!p1 s28, $0x10  }
0x77: {  	s29 =	sshrl.u32 @!p1 s29, $0x9;
	s30 =	ssub.s32 @!p1 s26, s28  }
0x78: {  	s29 =	sand.u32 @!p1 $0x7F, s29;
	s30 =	sand.u32 @!p1 $0xFFFE, s30  }
0x79: {  	s29 =	smul.u32 @!p1 $0x3, s29;
	s30 =	sshrl.u32 @!p1 s30, $0x1  }
0x7a: {  	s28 =	sadd.s32 @!p1 s28, s30  }
0x7b: {  	s29 =	ssub.s32 @!p1 s25, s29;
	s28 =	sand.u32 @!p1 $0xFFF0, s28  }
0x7c: {  	s29 =	sand.u32 @!p1 $0xFF, s29;
	s28 =	sshrl.u32 @!p1 s28, $0x4  }
0x7d: {  	s31 =	sadd.s32 @!p1 $0x1, s29;
	s30 =	smul.u32 @!p1 $0x19, s28  }
0x7e: {  	p2 =	sgt.u32 s25, $0x12;
	_ =	swait.ge @!p1 [sflag:s31], $0x8000  }
0x7f: {  	s28 =	smul.u32 @!p1 $0xC8000, s28;
	s26 =	ssub.s32 @!p1 s26, s30;
	s30 =	sadd.s32 $0x2, s25  }
0x80: {  	[sflag:s31] =	ssyncset.done @!p1 $0x0;
	s26 =	sand.u32 @!p1 $0xFFFF, s26;
	s2 =	smul.u32 @!p2 $0xAB, s30  }
0x81: {  	[sflag:s31] =	ssyncadd.s32 @!p1 $0xFFFF8000;
	s31 =	simm.s32 @!p1 $0x0;
	s26 =	sshll.u32 @!p1 s26, $0xF  }
0x82: {  	s26 =	sadd.s32 @!p1 s26, s28;
	s28 =	sor.u32 @!p1 $0x4, s29;
	s2 =	sshrl.u32 @!p2 s2, $0x9  }
0x83: {  	s29 =	sshll.u32 @!p1 s29, $0xF;
	s26 =	sshrl.u32 @!p1 s26, $0x3;
	s2 =	sand.u32 @!p2 $0x7F, s2  }
0x84: {  	s29 =	sor.u32 @!p1 $0x100, s29;
	s26 =	sadd.s32 @!p1 s4, s26;
	s2 =	smul.u32 @!p2 $0x3, s2  }
0x85: {  	[hbm4b:s26+s31] =	stream.linear.scatter @!p1 [tilespmem:s29], [sflag:s28], $0x8000, $0x38;
	[tilespmem:$0x18100] =	vst v63  }
0x86: {  	p3 =	sgt.u32 @!p2 s11, $0x289;
	p1 =	seq.s32 @!p2 s25, $0x0;
	s2 =	ssub.s32 @!p2 s30, s2  }
0x87: {  	p1 =	por p1, p2;
	s26 =	sand.u32 @!p2 $0xFF, s2;
	p2 =	por p2, p3  }
.Ltmp4:
0x88: {  	_ = 	snop;
	(pc) =	sbr.rel @p2 .LBB2_4-.Ltmp4, $4  }
0x89: {  	s2 =	sadd.s32 @!p1 $0x4, s26  }
0x8a: {  	_ =	swait.ge @!p1 [sflag:s2], $0x8000  }
0x8b: {  	[sflag:s2] =	ssyncset.done @!p1 $0x0  }
0x8c: {  	[sflag:s2] =	ssyncadd.s32 @!p1 $0xFFFF8000  }
0x8d: {  	s2 =	smul.u32 $0x47AF, s11;
	_ =	sdelay $0x1  }
0x8e: {  	s2 =	sshrl.u32 s2, $0x10  }
0x8f: {  	s28 =	ssub.s32 s11, s2  }
0x90: {  	s28 =	sand.u32 $0xFFFE, s28  }
0x91: {  	s28 =	sshrl.u32 s28, $0x1  }
0x92: {  	s2 =	sadd.s32 s2, s28  }
0x93: {  	s2 =	sand.u32 $0xFFF0, s2  }
0x94: {  	s2 =	sshrl.u32 s2, $0x4  }
0x95: {  	s30 =	smul.u32 $0x19, s2;
	_ =	sdelay $0x1  }
0x96: {  	s28 =	ssub.s32 s11, s30  }
0x97: {  	s28 =	sshll.u32 s28, $0x3  }
0x98: {  	s28 =	sand.u32 $0x3FF8, s28  }
0x99: {  	v2 =	vld.msk [tilespmem:s28+$0x0], $0xff;
	_ =	sdelay $0x4  }
0x9a: {  	v3 =	vshll.u32 v2, $0x5  }
0x9b: {  	v2 =	vand.u32 $0x7, v2;
	v3 =	vand.u32 $0xFFFFFF00, v3  }
0x9c: {  	v2 =	vor.u32 v2, v3  }
0x9d: {  	v2 =	vperm.xlane v2, v0;
	_ =	sdelay $0x1  }
0x9e: {  	v2 =	vadd.s32 v1, v2;
	_ =	sdelay $0x1  }
0x9f: {  	s2 =	smul.u32 $0x7D000, s2  }
0xa0: {  	s28 =	sshll.u32 s26, $0xF  }
0xa1: {  	s2 =	sadd.s32 s1, s2;
	s26 =	sadd.s32 $0x1, s26;
	s29 =	sor.u32 $0x100, s28  }
0xa2: {  	[tilespmem:s29], [sflag:s26] =	stream.indirect_vreg.gather [hbm4b:s2+s5], $0x80, v2, vm0, $0xb8;
	[tilespmem:$0x18100] =	vst v63  }
0xa3: {  	s31 =	sadd.s32 $0x100, s2;
	s30 =	sor.u32 $0x900, s28  }
0xa4: {  	[tilespmem:s30], [sflag:s26] =	stream.indirect_vreg.gather [hbm4b:s31+s5], $0x80, v2, vm0, $0xb8;
	[tilespmem:$0x18100] =	vst v63  }
0xa5: {  	s29 =	sadd.s32 $0x200, s2;
	s31 =	sor.u32 $0x1100, s28  }
0xa6: {  	[tilespmem:s31], [sflag:s26] =	stream.indirect_vreg.gather [hbm4b:s29+s5], $0x80, v2, vm0, $0xb8;
	[tilespmem:$0x18100] =	vst v63  }
0xa7: {  	s29 =	sadd.s32 $0x300, s2;
	s31 =	sor.u32 $0x1900, s28  }
0xa8: {  	[tilespmem:s31], [sflag:s26] =	stream.indirect_vreg.gather [hbm4b:s29+s5], $0x80, v2, vm0, $0xb8;
	[tilespmem:$0x18100] =	vst v63  }
0xa9: {  	s29 =	sadd.s32 $0x400, s2;
	s31 =	sor.u32 $0x2100, s28  }
0xaa: {  	[tilespmem:s31], [sflag:s26] =	stream.indirect_vreg.gather [hbm4b:s29+s5], $0x80, v2, vm0, $0xb8;
	[tilespmem:$0x18100] =	vst v63  }
0xab: {  	s29 =	sadd.s32 $0x500, s2;
	s31 =	sor.u32 $0x2900, s28  }
0xac: {  	[tilespmem:s31], [sflag:s26] =	stream.indirect_vreg.gather [hbm4b:s29+s5], $0x80, v2, vm0, $0xb8;
	[tilespmem:$0x18100] =	vst v63  }
0xad: {  	s29 =	sadd.s32 $0x600, s2;
	s31 =	sor.u32 $0x3100, s28  }
0xae: {  	[tilespmem:s31], [sflag:s26] =	stream.indirect_vreg.gather [hbm4b:s29+s5], $0x80, v2, vm0, $0xb8;
	[tilespmem:$0x18100] =	vst v63  }
0xaf: {  	s29 =	sadd.s32 $0x700, s2;
	s31 =	sor.u32 $0x3900, s28  }
0xb0: {  	[tilespmem:s31], [sflag:s26] =	stream.indirect_vreg.gather [hbm4b:s29+s5], $0x80, v2, vm0, $0xb8;
	[tilespmem:$0x18100] =	vst v63  }
0xb1: {  	s29 =	sadd.s32 $0x800, s2;
	s31 =	sor.u32 $0x4100, s28  }
0xb2: {  	[tilespmem:s31], [sflag:s26] =	stream.indirect_vreg.gather [hbm4b:s29+s5], $0x80, v2, vm0, $0xb8;
	[tilespmem:$0x18100] =	vst v63  }
0xb3: {  	s29 =	sadd.s32 $0x900, s2;
	s31 =	sor.u32 $0x4900, s28  }
0xb4: {  	[tilespmem:s31], [sflag:s26] =	stream.indirect_vreg.gather [hbm4b:s29+s5], $0x80, v2, vm0, $0xb8;
	[tilespmem:$0x18100] =	vst v63  }
0xb5: {  	s29 =	sadd.s32 $0xA00, s2;
	s31 =	sor.u32 $0x5100, s28  }
0xb6: {  	[tilespmem:s31], [sflag:s26] =	stream.indirect_vreg.gather [hbm4b:s29+s5], $0x80, v2, vm0, $0xb8;
	[tilespmem:$0x18100] =	vst v63  }
0xb7: {  	s29 =	sadd.s32 $0xB00, s2;
	s31 =	sor.u32 $0x5900, s28  }
0xb8: {  	[tilespmem:s31], [sflag:s26] =	stream.indirect_vreg.gather [hbm4b:s29+s5], $0x80, v2, vm0, $0xb8;
	[tilespmem:$0x18100] =	vst v63  }
0xb9: {  	s29 =	sadd.s32 $0xC00, s2;
	s31 =	sor.u32 $0x6100, s28  }
0xba: {  	[tilespmem:s31], [sflag:s26] =	stream.indirect_vreg.gather [hbm4b:s29+s5], $0x80, v2, vm0, $0xb8;
	[tilespmem:$0x18100] =	vst v63  }
0xbb: {  	s29 =	sadd.s32 $0xD00, s2;
	s31 =	sor.u32 $0x6900, s28  }
0xbc: {  	[tilespmem:s31], [sflag:s26] =	stream.indirect_vreg.gather [hbm4b:s29+s5], $0x80, v2, vm0, $0xb8;
	[tilespmem:$0x18100] =	vst v63  }
.Ltmp5:
0xbd: {  	_ = 	snop;
	(pc) =	sbr.rel .LBB2_4-.Ltmp5, $4  }
0xbe: {  	s29 =	sadd.s32 $0xE00, s2;
	s31 =	sor.u32 $0x7100, s28  }
0xbf: {  	[tilespmem:s31], [sflag:s26] =	stream.indirect_vreg.gather [hbm4b:s29+s5], $0x80, v2, vm0, $0xb8;
	[tilespmem:$0x18100] =	vst v63  }
0xc0: {  	s2 =	sadd.s32 $0xF00, s2;
	s28 =	sor.u32 $0x7900, s28  }
0xc1: {  	[tilespmem:s28], [sflag:s26] =	stream.indirect_vreg.gather [hbm4b:s2+s5], $0x80, v2, vm0, $0xb8;
	[tilespmem:$0x18100] =	vst v63  }
.LBB2_6:
0xc2: {  	_ =	sfence.sel $0x180000  }
0xc3: {  	[bflag:$0x0] =	sbarrier.arrive $0xFFFF  }
0xc4: {  	_ =	strace $0x90000047  }
0xc5: {  	s0 =	stileid.u32;
	[bflag:$0x2] =	sbarrier.arrive $0xFFFF  }
0xc6: {  	p0 =	sne.s32 s0, $0x0;
	s0 =	rddreg [dreg:$0x3]  }
0xc7: {  	s0 =	sadd.s32 @!p0 $0x100000, s0  }
0xc8: {  	[sflag:s0] =	ssyncadd.tile.s32 @!p0 $0x1;
	_ =	shalt  }
.Lfunc_end2:
_tile_overlayer_lowered:
.L_overlay_start_2:
0xc9: {  	(tag) =	ssettag $0x2  }
0xca: {  	s0 =	rddreg [dreg:$0x0];
	s2 =	stileid.u32  }
0xcb: {  	s1 =	rddreg [dreg:$0x1];
	p0 =	sne.s32 s2, $0x0  }
0xcc: {  	s3 =	rddreg [dreg:$0x2];
	[bflag:$0x3] =	sbarrier.arrive $0xFFFF;
	s2 =	simm.s32 @!p0 $0x1C07  }
0xcd: {  	[timem:s3], [sflag:s2] =	dma.local @!p0 [hbm:s0], s1  }
0xce: {  	s0 =	simm.s32 @!p0 $0x7  }
0xcf: {  	_ =	swait.ge @!p0 [sflag:s0], s1  }
0xd0: {  	s1 =	ssub.s32 @!p0 $0x0, s1;
	[sflag:s0] =	ssyncset.done @!p0 $0x0  }
0xd1: {  	[sflag:s0] =	ssyncadd.s32 @!p0 s1  }
0xd2: {  	[bflag:$0x3] =	sbarrier.arrive $0xFFFF  }
0xd3: {  	_ =	shalt  }

</sc_bundles>
